<compile_context>
chip_gen: v7x
topology: tpu7x:2x2x1
jax: 0.10.2.dev20260603
libtpu: 0.0.44.dev20260713+nightly
codegen_flags: <defaults>
</compile_context>

<pallas_src>
import jax
import jax.numpy as jnp
from jax import lax
from jax.experimental import pallas as pl
from jax.experimental.pallas import tpu as pltpu
from jax.experimental.pallas import tpu_sc as plsc

N = 10000
E = 640000
F = 120
H = 128
HH = H // 2
NC = 2
NS = 16
NW = NC * NS
K = 125

EPW = E // NW
NCHD = EPW // K

EPS = E // NS
NCHA = EPS // K
ST = 4
SCH = NCHA // ST

BLK = 400
BLKH = 200

_mesh = plsc.VectorSubcoreMesh(
    core_axis_name="c", subcore_axis_name="s", num_cores=NC, num_subcores=NS)

_sc_params = pltpu.CompilerParams(use_tc_tiling_on_sc=False)


def _deg_body(dst3, zeros_n, deg_out, dst_buf, ones_buf, sem0, sem1, deg_sh):
    c = lax.axis_index("c")
    s = lax.axis_index("s")
    wid = c * NS + s
    pltpu.sync_copy(dst3.at[wid], dst_buf)
    for j in range(128 // 16):
        ones_buf[pl.ds(j * 16, 16)] = jnp.ones((16,), jnp.float32)
    ones = ones_buf.at[pl.ds(0, K)]

    @pl.when(s == 0)
    def _():
        pltpu.sync_copy(zeros_n, deg_sh)

    plsc.subcore_barrier()

    @pl.loop(0, NCHD, step=2)
    def _chunk(base):
        for b, sem in ((0, sem0), (1, sem1)):
            cid = base + b

            @pl.when(cid >= 2)
            def _():
                pltpu.make_async_copy(ones, deg_sh.at[dst_buf.at[cid]], sem).wait()

            pltpu.async_copy(ones, deg_sh.at[dst_buf.at[cid]], sem, add=True)

    pltpu.make_async_copy(ones, deg_sh.at[dst_buf.at[NCHD - 2]], sem0).wait()
    pltpu.make_async_copy(ones, deg_sh.at[dst_buf.at[NCHD - 1]], sem1).wait()

    plsc.subcore_barrier()

    @pl.when(s == 0)
    def _():
        pltpu.sync_copy(deg_sh, deg_out.at[c])


def _agg_body(src3, dst3, g0, g1, zz, agg_out,
              src_buf, dst_buf, rows0, rows1, semg0, semg1,
              acc0, acc1, acc2, acc3):
    c = lax.axis_index("c")
    s = lax.axis_index("s")

    @pl.when(s == 0)
    def _():
        @pl.when(c == 0)
        def _():
            pltpu.sync_copy(g0, acc0)

        @pl.when(c > 0)
        def _():
            pltpu.sync_copy(g1, acc0)

    for pi, acc in ((1, acc1), (2, acc2), (3, acc3)):
        @pl.when(s == pi)
        def _():
            pltpu.sync_copy(zz, acc)

    plsc.subcore_barrier()

    def run(g_in):
        @pl.loop(0, ST)
        def _stage(st):
            pltpu.sync_copy(src3.at[s, st], src_buf)
            pltpu.sync_copy(dst3.at[s, st], dst_buf)
            pltpu.async_copy(g_in.at[src_buf.at[0]], rows0, semg0)

            pltpu.async_copy(g_in.at[src_buf.at[1]], rows1, semg1)

            @pl.loop(0, SCH, step=4)
            def _chunk(base):
                for b in range(4):
                    cid = base + b
                    rows = rows0 if b % 2 == 0 else rows1
                    semg = semg0 if b % 2 == 0 else semg1
                    acc = (acc0, acc1, acc2, acc3)[b]
                    pltpu.make_async_copy(
                        g_in.at[src_buf.at[cid]], rows, semg).wait()
                    pltpu.sync_copy(rows, acc.at[dst_buf.at[cid]], add=True)

                    @pl.when(cid + 2 < SCH)
                    def _():
                        pltpu.async_copy(
                            g_in.at[src_buf.at[cid + 2]], rows, semg)

    @pl.when(c == 0)
    def _():
        run(g0)

    @pl.when(c > 0)
    def _():
        run(g1)

    plsc.subcore_barrier()
    off = pl.multiple_of(s * 624, 8)
    for pi, acc in enumerate((acc0, acc1, acc2, acc3)):
        @pl.when(s < NS - 1)
        def _():
            pltpu.sync_copy(acc.at[pl.ds(off, 624)],
                            agg_out.at[c, pi, pl.ds(off, 624)])

        @pl.when(s == NS - 1)
        def _():
            pltpu.sync_copy(acc.at[pl.ds(15 * 624, 640)],
                            agg_out.at[c, pi, pl.ds(15 * 624, 640)])


def _scale_body(x_ref, w_ref, degt_ref, g0_ref, g1_ref):
    deg = degt_ref[:, 0:1] + degt_ref[:, 1:2] + 1.0
    dinv = lax.rsqrt(deg)
    h = jnp.dot(x_ref[...], w_ref[...],
                preferred_element_type=jnp.float32,
                precision=lax.Precision.HIGHEST)
    gb = (h * dinv).astype(jnp.bfloat16)
    g0_ref[...] = gb[:, :HH]
    g1_ref[...] = gb[:, HH:]


def _out_body(aggr_ref, degq_ref, br2_ref, w2_ref, bl2_ref, o_ref):
    deg_e = degq_ref[:, 0:1] + degq_ref[:, 1:2] + 1.0
    deg_o = degq_ref[:, 2:3] + degq_ref[:, 3:4] + 1.0
    lane = lax.broadcasted_iota(jnp.int32, (BLKH, H), 1)
    degf = jnp.where(lane < HH,
                     jnp.broadcast_to(deg_e, (BLKH, H)),
                     jnp.broadcast_to(deg_o, (BLKH, H)))
    dinv = lax.rsqrt(degf)
    o = jnp.broadcast_to(bl2_ref[...][None, :], (BLKH, H))
    for ci in range(NC):
        a = sum(aggr_ref[ci, pi].astype(jnp.float32) for pi in range(4))
        v = jnp.maximum(a * dinv + br2_ref[ci][None, :], 0.0)
        o = o + jnp.dot(v, w2_ref[ci],
                        preferred_element_type=jnp.float32,
                        precision=lax.Precision.HIGHEST)
    o_ref[...] = o


def kernel(p_node_feat, p_edge_index, r_node_feat, r_edge_index, batch,
           Wr, br, Wlin, blin):
    src = r_edge_index[0].astype(jnp.int32)
    dst = r_edge_index[1].astype(jnp.int32)
    src16 = src.reshape(NS, ST, SCH, K)
    dst16 = dst.reshape(NS, ST, SCH, K)
    dst32 = dst.reshape(NW, NCHD, K)
    zeros_n = jnp.zeros((N,), jnp.float32)
    zeros_hh = jnp.zeros((N, HH), jnp.bfloat16)

    deg = pl.kernel(
        _deg_body,
        out_type=jax.ShapeDtypeStruct((NC, N), jnp.float32),
        mesh=_mesh,
        compiler_params=_sc_params,
        scratch_types=[
            pltpu.VMEM((NCHD, K), jnp.int32),
            pltpu.VMEM((128,), jnp.float32),
            pltpu.SemaphoreType.DMA,
            pltpu.SemaphoreType.DMA,
            pltpu.VMEM_SHARED((N,), jnp.float32),
        ],
    )(dst32, zeros_n)
    degt = deg.T

    g0, g1 = pl.pallas_call(
        _scale_body,
        grid=(N // BLK,),
        in_specs=[
            pl.BlockSpec((BLK, F), lambda i: (i, 0)),
            pl.BlockSpec((F, H), lambda i: (0, 0)),
            pl.BlockSpec((BLK, NC), lambda i: (i, 0)),
        ],
        out_specs=[
            pl.BlockSpec((BLK, HH), lambda i: (i, 0)),
            pl.BlockSpec((BLK, HH), lambda i: (i, 0)),
        ],
        out_shape=[
            jax.ShapeDtypeStruct((N, HH), jnp.bfloat16),
            jax.ShapeDtypeStruct((N, HH), jnp.bfloat16),
        ],
    )(r_node_feat, Wr, degt)

    agg = pl.kernel(
        _agg_body,
        out_type=jax.ShapeDtypeStruct((NC, 4, N, HH), jnp.bfloat16),
        mesh=_mesh,
        compiler_params=_sc_params,
        scratch_types=[
            pltpu.VMEM((SCH, K), jnp.int32),
            pltpu.VMEM((SCH, K), jnp.int32),
            pltpu.VMEM((K, HH), jnp.bfloat16),
            pltpu.VMEM((K, HH), jnp.bfloat16),
            pltpu.SemaphoreType.DMA,
            pltpu.SemaphoreType.DMA,
            pltpu.VMEM_SHARED((N, HH), jnp.bfloat16),
            pltpu.VMEM_SHARED((N, HH), jnp.bfloat16),
            pltpu.VMEM_SHARED((N, HH), jnp.bfloat16),
            pltpu.VMEM_SHARED((N, HH), jnp.bfloat16),
        ],
    )(src16, dst16, g0, g1, zeros_hh)

    aggr = agg.reshape(NC, 4, N // 2, H)
    degq = degt.reshape(N // 2, 2 * NC)
    br2 = jnp.stack([jnp.concatenate([br[:HH], br[:HH]]),
                     jnp.concatenate([br[HH:], br[HH:]])])
    w2 = jnp.zeros((NC, H, H), jnp.float32)
    w2 = w2.at[0, :HH, 0:2].set(Wlin[:HH]).at[0, HH:, 2:4].set(Wlin[:HH])
    w2 = w2.at[1, :HH, 0:2].set(Wlin[HH:]).at[1, HH:, 2:4].set(Wlin[HH:])
    bl2 = jnp.zeros((H,), jnp.float32).at[:4].set(
        jnp.concatenate([blin, blin]))

    out = pl.pallas_call(
        _out_body,
        grid=(N // BLK,),
        in_specs=[
            pl.BlockSpec((NC, 4, BLKH, H), lambda i: (0, 0, i, 0)),
            pl.BlockSpec((BLKH, 2 * NC), lambda i: (i, 0)),
            pl.BlockSpec((NC, H), lambda i: (0, 0)),
            pl.BlockSpec((NC, H, H), lambda i: (0, 0, 0)),
            pl.BlockSpec((H,), lambda i: (0,)),
        ],
        out_specs=pl.BlockSpec((BLKH, H), lambda i: (i, 0)),
        out_shape=jax.ShapeDtypeStruct((N // 2, H), jnp.float32),
    )(aggr, degq, br2, w2, bl2)

    return out[:, :4].reshape(N, 2)

# --- scband reference (transcript-rebuilt; emitter-appended) ---
"""Pipeline reference for scband-rgcn-72258529788422 (READ-ONLY COPY).

The authoritative reference and input builder live on the scoring server;
editing this copy changes nothing except your own understanding.
"""

import jax, jax.numpy as jnp
import numpy as np

N_NODES = 10000
N_GRAPHS = 64
HIDDEN = 128


def gcn_conv(x, edge_index, W, b, num_nodes):
    # PyG GCNConv: add self-loops, symmetric normalization, scatter-add aggregation
    src = edge_index[0]
    dst = edge_index[1]
    loop = jnp.arange(num_nodes, dtype=src.dtype)
    src = jnp.concatenate([src, loop])
    dst = jnp.concatenate([dst, loop])
    h = x @ W
    deg = jax.ops.segment_sum(jnp.ones_like(dst, dtype=h.dtype), dst, num_segments=num_nodes)
    dinv = jnp.where(deg > 0, deg ** -0.5, 0.0)
    norm = dinv[src] * dinv[dst]
    msg = h[src] * norm[:, None]
    out = jax.ops.segment_sum(msg, dst, num_segments=num_nodes)
    return out + b


def global_mean_pool(x, batch, num_graphs):
    s = jax.ops.segment_sum(x, batch, num_segments=num_graphs)
    cnt = jax.ops.segment_sum(jnp.ones((x.shape[0],), x.dtype), batch, num_segments=num_graphs)
    return s / jnp.clip(cnt, 1.0)[:, None]


def setup_inputs(seed: int = 0) -> dict:
    key = jax.random.key(seed)
    ks = jax.random.split(key, 8)
    p_node_feat = jax.random.normal(ks[0], (N_NODES, 1280), dtype=jnp.float32)
    p_edge_index = jax.random.randint(ks[1], (2, 160000), 0, N_NODES)
    r_node_feat = jax.random.normal(ks[2], (N_NODES, 120), dtype=jnp.float32)
    r_edge_index = jax.random.randint(ks[3], (2, 640000), 0, N_NODES)
    batch = jnp.sort(jax.random.randint(ks[4], (N_NODES,), 0, N_GRAPHS))
    Wr = jax.random.normal(ks[5], (120, HIDDEN), dtype=jnp.float32) * (1.0 / np.sqrt(120.0))
    br = jnp.zeros((HIDDEN,), dtype=jnp.float32)
    Wlin = jax.random.normal(ks[6], (HIDDEN, 2), dtype=jnp.float32) * (1.0 / np.sqrt(float(HIDDEN)))
    blin = jnp.zeros((2,), dtype=jnp.float32)
    return {"p_node_feat": p_node_feat, "p_edge_index": p_edge_index, "r_node_feat": r_node_feat, "r_edge_index": r_edge_index, "batch": batch, "Wr": Wr, "br": br, "Wlin": Wlin, "blin": blin}


def reference(p_node_feat, p_edge_index, r_node_feat, r_edge_index, batch, Wr, br, Wlin, blin):
    # p = 0 in the original; interpreted as an empty node set so concat((p, r)) == r
    r = gcn_conv(r_node_feat, r_edge_index, Wr, br, N_NODES)
    r = jax.nn.relu(r)
    gmp_r = global_mean_pool(r, batch, N_GRAPHS)  # computed in original, result unused
    p = jnp.zeros((0, r.shape[1]), dtype=r.dtype)
    p_r = jnp.concatenate((p, r), axis=0)
    x = global_mean_pool(p_r, batch, N_GRAPHS)  # immediately overwritten in original
    x = p_r  # F.dropout(p_r, p=0.5, training=False) -> identity in eval mode
    x = x @ Wlin + blin
    return x

if __name__ == "__main__":
    import jax
    _d = setup_inputs()
    print(jax.jit(kernel)(*tuple(_d.values())))

</pallas_src>

<mosaic_0001>
#map = affine_map<(d0, d1) -> (0, 0, 0)>
#map1 = affine_map<(d0, d1) -> (0)>
#map2 = affine_map<(d0, d1) -> (0, 0)>
module attributes {stable_mosaic.version = 14 : i64} {
  func.func @_deg_body(%arg0: i32, %arg1: i32, %arg2: memref<32x160x125xi32, #tpu.memory_space<hbm>>, %arg3: memref<10000xf32, #tpu.memory_space<hbm>>, %arg4: memref<2x10000xf32, #tpu.memory_space<hbm>>, %arg5: memref<160x125xi32, #tpu.memory_space<vmem>>, %arg6: memref<128xf32, #tpu.memory_space<vmem>>, %arg7: memref<!tpu.dma_semaphore, #tpu.memory_space<semaphore_mem>>, %arg8: memref<!tpu.dma_semaphore, #tpu.memory_space<semaphore_mem>>, %arg9: memref<10000xf32, #tpu.memory_space<vmem_shared>>) attributes {dimension_semantics = [#tpu.dimension_semantics<core_parallel>, #tpu.dimension_semantics<subcore_parallel>], iteration_bounds = array<i64: 2, 16>, scalar_prefetch = 0 : i64, scratch_operands = 5 : i64, tpu.core_type = #tpu.core_type<sc_vector_subcore>, window_params = [{transform_indices = #map}, {transform_indices = #map1}, {transform_indices = #map2}]} {
    %mul3A = arith.constant 16 : i32
    %mul3A_0 = arith.muli %arg0, %mul3A : i32
    %add3A = arith.addi %mul3A_0, %arg1 : i32
    "tpu.region"() ({
      %run_scoped3A = tpu.sem_alloc : memref<!tpu.dma_semaphore, #tpu.memory_space<semaphore_mem>>
      %dma_start3A = arith.constant 0 : i32
      %dma_start3A_74 = arith.constant 0 : i32
      %dma_start3A_75 = tpu.memref_slice %arg2[%add3A, %dma_start3A, %dma_start3A_74] : memref<32x160x125xi32, #tpu.memory_space<hbm>> -> memref<1x160x125xi32, #tpu.memory_space<hbm>>
      %dma_start3A_76 = tpu.memref_squeeze %dma_start3A_75 : memref<1x160x125xi32, #tpu.memory_space<hbm>> -> memref<160x125xi32, #tpu.memory_space<hbm>>
      %dma_start3A_77 = arith.constant 0 : i32
      %dma_start3A_78 = arith.constant 0 : i32
      %dma_start3A_79 = tpu.memref_slice %arg2[%add3A, %dma_start3A_77, %dma_start3A_78] : memref<32x160x125xi32, #tpu.memory_space<hbm>> -> memref<1x160x125xi32, #tpu.memory_space<hbm>>
      %dma_start3A_80 = tpu.memref_squeeze %dma_start3A_79 : memref<1x160x125xi32, #tpu.memory_space<hbm>> -> memref<160x125xi32, #tpu.memory_space<hbm>>
      tpu.enqueue_dma source(%dma_start3A_80 : memref<160x125xi32, #tpu.memory_space<hbm>>) target(%arg5 : memref<160x125xi32, #tpu.memory_space<vmem>>) target_semaphore(%run_scoped3A : memref<!tpu.dma_semaphore, #tpu.memory_space<semaphore_mem>>)
      %dma_wait3A_81 = arith.constant 0 : i32
      %dma_wait3A_82 = arith.constant 0 : i32
      %dma_wait3A_83 = tpu.memref_slice %arg2[%add3A, %dma_wait3A_81, %dma_wait3A_82] : memref<32x160x125xi32, #tpu.memory_space<hbm>> -> memref<1x160x125xi32, #tpu.memory_space<hbm>>
      %dma_wait3A_84 = tpu.memref_squeeze %dma_wait3A_83 : memref<1x160x125xi32, #tpu.memory_space<hbm>> -> memref<160x125xi32, #tpu.memory_space<hbm>>
      %dma_wait3A_85 = arith.constant 0 : i32
      %dma_wait3A_86 = arith.constant 0 : i32
      %dma_wait3A_87 = tpu.memref_slice %arg2[%add3A, %dma_wait3A_85, %dma_wait3A_86] : memref<32x160x125xi32, #tpu.memory_space<hbm>> -> memref<1x160x125xi32, #tpu.memory_space<hbm>>
      %dma_wait3A_88 = tpu.memref_squeeze %dma_wait3A_87 : memref<1x160x125xi32, #tpu.memory_space<hbm>> -> memref<160x125xi32, #tpu.memory_space<hbm>>
      tpu.wait_dma2 semaphore(%run_scoped3A : memref<!tpu.dma_semaphore, #tpu.memory_space<semaphore_mem>>) src(%dma_wait3A_88 : memref<160x125xi32, #tpu.memory_space<hbm>>) dst(%arg5 : memref<160x125xi32, #tpu.memory_space<vmem>>)
      tpu.yield
    }) : () -> ()
    %broadcast_in_dim3A = arith.constant 1.000000e+00 : f32
    %broadcast_in_dim3A_1 = vector.broadcast %broadcast_in_dim3A : f32 to vector<16xf32>
    %swap3A = arith.constant 0 : index
    %swap3A_2 = tpu.vector_load %arg6[%swap3A] {strides = array<i32>} : memref<128xf32, #tpu.memory_space<vmem>>, vector<16xf32>,
    %swap3A_3 = vector.shape_cast %swap3A_2 : vector<16xf32> to vector<16xf32>
    %swap3A_4 = vector.shape_cast %broadcast_in_dim3A_1 : vector<16xf32> to vector<16xf32>
    tpu.vector_store %arg6[%swap3A], %swap3A_4 {strides = array<i32>} : memref<128xf32, #tpu.memory_space<vmem>>, vector<16xf32>,
    %broadcast_in_dim3A_5 = arith.constant 1.000000e+00 : f32
    %broadcast_in_dim3A_6 = vector.broadcast %broadcast_in_dim3A_5 : f32 to vector<16xf32>
    %swap3A_7 = arith.constant 16 : index
    %swap3A_8 = tpu.vector_load %arg6[%swap3A_7] {strides = array<i32>} : memref<128xf32, #tpu.memory_space<vmem>>, vector<16xf32>,
    %swap3A_9 = vector.shape_cast %swap3A_8 : vector<16xf32> to vector<16xf32>
    %swap3A_10 = vector.shape_cast %broadcast_in_dim3A_6 : vector<16xf32> to vector<16xf32>
    tpu.vector_store %arg6[%swap3A_7], %swap3A_10 {strides = array<i32>} : memref<128xf32, #tpu.memory_space<vmem>>, vector<16xf32>,
    %broadcast_in_dim3A_11 = arith.constant 1.000000e+00 : f32
    %broadcast_in_dim3A_12 = vector.broadcast %broadcast_in_dim3A_11 : f32 to vector<16xf32>
    %swap3A_13 = arith.constant 32 : index
    %swap3A_14 = tpu.vector_load %arg6[%swap3A_13] {strides = array<i32>} : memref<128xf32, #tpu.memory_space<vmem>>, vector<16xf32>,
    %swap3A_15 = vector.shape_cast %swap3A_14 : vector<16xf32> to vector<16xf32>
    %swap3A_16 = vector.shape_cast %broadcast_in_dim3A_12 : vector<16xf32> to vector<16xf32>
    tpu.vector_store %arg6[%swap3A_13], %swap3A_16 {strides = array<i32>} : memref<128xf32, #tpu.memory_space<vmem>>, vector<16xf32>,
    %broadcast_in_dim3A_17 = arith.constant 1.000000e+00 : f32
    %broadcast_in_dim3A_18 = vector.broadcast %broadcast_in_dim3A_17 : f32 to vector<16xf32>
    %swap3A_19 = arith.constant 48 : index
    %swap3A_20 = tpu.vector_load %arg6[%swap3A_19] {strides = array<i32>} : memref<128xf32, #tpu.memory_space<vmem>>, vector<16xf32>,
    %swap3A_21 = vector.shape_cast %swap3A_20 : vector<16xf32> to vector<16xf32>
    %swap3A_22 = vector.shape_cast %broadcast_in_dim3A_18 : vector<16xf32> to vector<16xf32>
    tpu.vector_store %arg6[%swap3A_19], %swap3A_22 {strides = array<i32>} : memref<128xf32, #tpu.memory_space<vmem>>, vector<16xf32>,
    %broadcast_in_dim3A_23 = arith.constant 1.000000e+00 : f32
    %broadcast_in_dim3A_24 = vector.broadcast %broadcast_in_dim3A_23 : f32 to vector<16xf32>
    %swap3A_25 = arith.constant 64 : index
    %swap3A_26 = tpu.vector_load %arg6[%swap3A_25] {strides = array<i32>} : memref<128xf32, #tpu.memory_space<vmem>>, vector<16xf32>,
    %swap3A_27 = vector.shape_cast %swap3A_26 : vector<16xf32> to vector<16xf32>
    %swap3A_28 = vector.shape_cast %broadcast_in_dim3A_24 : vector<16xf32> to vector<16xf32>
    tpu.vector_store %arg6[%swap3A_25], %swap3A_28 {strides = array<i32>} : memref<128xf32, #tpu.memory_space<vmem>>, vector<16xf32>,
    %broadcast_in_dim3A_29 = arith.constant 1.000000e+00 : f32
    %broadcast_in_dim3A_30 = vector.broadcast %broadcast_in_dim3A_29 : f32 to vector<16xf32>
    %swap3A_31 = arith.constant 80 : index
    %swap3A_32 = tpu.vector_load %arg6[%swap3A_31] {strides = array<i32>} : memref<128xf32, #tpu.memory_space<vmem>>, vector<16xf32>,
    %swap3A_33 = vector.shape_cast %swap3A_32 : vector<16xf32> to vector<16xf32>
    %swap3A_34 = vector.shape_cast %broadcast_in_dim3A_30 : vector<16xf32> to vector<16xf32>
    tpu.vector_store %arg6[%swap3A_31], %swap3A_34 {strides = array<i32>} : memref<128xf32, #tpu.memory_space<vmem>>, vector<16xf32>,
    %broadcast_in_dim3A_35 = arith.constant 1.000000e+00 : f32
    %broadcast_in_dim3A_36 = vector.broadcast %broadcast_in_dim3A_35 : f32 to vector<16xf32>
    %swap3A_37 = arith.constant 96 : index
    %swap3A_38 = tpu.vector_load %arg6[%swap3A_37] {strides = array<i32>} : memref<128xf32, #tpu.memory_space<vmem>>, vector<16xf32>,
    %swap3A_39 = vector.shape_cast %swap3A_38 : vector<16xf32> to vector<16xf32>
    %swap3A_40 = vector.shape_cast %broadcast_in_dim3A_36 : vector<16xf32> to vector<16xf32>
    tpu.vector_store %arg6[%swap3A_37], %swap3A_40 {strides = array<i32>} : memref<128xf32, #tpu.memory_space<vmem>>, vector<16xf32>,
    %broadcast_in_dim3A_41 = arith.constant 1.000000e+00 : f32
    %broadcast_in_dim3A_42 = vector.broadcast %broadcast_in_dim3A_41 : f32 to vector<16xf32>
    %swap3A_43 = arith.constant 112 : index
    %swap3A_44 = tpu.vector_load %arg6[%swap3A_43] {strides = array<i32>} : memref<128xf32, #tpu.memory_space<vmem>>, vector<16xf32>,
    %swap3A_45 = vector.shape_cast %swap3A_44 : vector<16xf32> to vector<16xf32>
    %swap3A_46 = vector.shape_cast %broadcast_in_dim3A_42 : vector<16xf32> to vector<16xf32>
    tpu.vector_store %arg6[%swap3A_43], %swap3A_46 {strides = array<i32>} : memref<128xf32, #tpu.memory_space<vmem>>, vector<16xf32>,
    %eq3A = arith.constant 0 : i32
    %eq3A_47 = arith.cmpi eq, %arg1, %eq3A : i32
    %convert_element_type3A = arith.extui %eq3A_47 : i1 to i32
    %cond3A = arith.constant 0 : i32
    %cond3A_48 = arith.cmpi ne, %convert_element_type3A, %cond3A : i32
    scf.if %cond3A_48 {
      "tpu.region"() ({
        %run_scoped3A = tpu.sem_alloc : memref<!tpu.dma_semaphore, #tpu.memory_space<semaphore_mem>>
        tpu.enqueue_dma source(%arg3 : memref<10000xf32, #tpu.memory_space<hbm>>) target(%arg9 : memref<10000xf32, #tpu.memory_space<vmem_shared>>) target_semaphore(%run_scoped3A : memref<!tpu.dma_semaphore, #tpu.memory_space<semaphore_mem>>)
        tpu.wait_dma2 semaphore(%run_scoped3A : memref<!tpu.dma_semaphore, #tpu.memory_space<semaphore_mem>>) src(%arg3 : memref<10000xf32, #tpu.memory_space<hbm>>) dst(%arg9 : memref<10000xf32, #tpu.memory_space<vmem_shared>>)
        tpu.yield
      }) : () -> ()
    } else {
    }
    %barrier3A = arith.constant 0 : index
    tpu.barrier barrier_id(%barrier3A)
    %scan3A = arith.constant 0 : i32
    %scan3A_49 = arith.constant 80 : i32
    %scan3A_50 = arith.addi %scan3A, %scan3A_49 : i32
    %scan3A_51 = arith.constant 1 : i32
    scf.for %scan3A_74 = %scan3A to %scan3A_50 step %scan3A_51  : i32 {
      %mul3A_75 = arith.constant 2 : i32
      %mul3A_76 = arith.muli %scan3A_74, %mul3A_75 : i32
      %add3A_77 = arith.constant 0 : i32
      %add3A_78 = arith.addi %add3A_77, %mul3A_76 : i32
      %add3A_79 = arith.constant 0 : i32
      %add3A_80 = arith.addi %add3A_78, %add3A_79 : i32
      %ge3A = arith.constant 2 : i32
      %ge3A_81 = arith.cmpi sge, %add3A_80, %ge3A : i32
      %convert_element_type3A_82 = arith.extui %ge3A_81 : i1 to i32
      %cond3A_83 = arith.constant 0 : i32
      %cond3A_84 = arith.cmpi ne, %convert_element_type3A_82, %cond3A_83 : i32
      scf.if %cond3A_84 {
        %dma_wait3A_105 = arith.constant 0 : i32
        %dma_wait3A_106 = tpu.memref_slice %arg6[%dma_wait3A_105] : memref<128xf32, #tpu.memory_space<vmem>> -> memref<125xf32, #tpu.memory_space<vmem>>
        %dma_wait3A_107 = arith.constant 0 : i32
        %dma_wait3A_108 = tpu.memref_slice %arg5[%add3A_80, %dma_wait3A_107] : memref<160x125xi32, #tpu.memory_space<vmem>> -> memref<1x125xi32, #tpu.memory_space<vmem>>
        %dma_wait3A_109 = tpu.memref_squeeze %dma_wait3A_108 : memref<1x125xi32, #tpu.memory_space<vmem>> -> memref<125xi32, #tpu.memory_space<vmem>>
        %dma_wait3A_110 = arith.constant 0 : i32
        %dma_wait3A_111 = tpu.memref_slice %arg9[%dma_wait3A_110] : memref<10000xf32, #tpu.memory_space<vmem_shared>> -> memref<10000xf32, #tpu.memory_space<vmem_shared>>
        tpu.wait_indirect_dma semaphore(%arg7 : memref<!tpu.dma_semaphore, #tpu.memory_space<semaphore_mem>>) src(%dma_wait3A_106 : memref<125xf32, #tpu.memory_space<vmem>>) dst(%dma_wait3A_111 : memref<10000xf32, #tpu.memory_space<vmem_shared>>)
      } else {
      }
      %dma_start3A = arith.constant 0 : i32
      %dma_start3A_85 = tpu.memref_slice %arg6[%dma_start3A] : memref<128xf32, #tpu.memory_space<vmem>> -> memref<125xf32, #tpu.memory_space<vmem>>
      %dma_start3A_86 = arith.constant 0 : i32
      %dma_start3A_87 = tpu.memref_slice %arg5[%add3A_80, %dma_start3A_86] : memref<160x125xi32, #tpu.memory_space<vmem>> -> memref<1x125xi32, #tpu.memory_space<vmem>>
      %dma_start3A_88 = tpu.memref_squeeze %dma_start3A_87 : memref<1x125xi32, #tpu.memory_space<vmem>> -> memref<125xi32, #tpu.memory_space<vmem>>
      %dma_start3A_89 = arith.constant 0 : i32
      %dma_start3A_90 = tpu.memref_slice %arg9[%dma_start3A_89] : memref<10000xf32, #tpu.memory_space<vmem_shared>> -> memref<10000xf32, #tpu.memory_space<vmem_shared>>
      tpu.enqueue_indirect_dma source(%dma_start3A_85 : memref<125xf32, #tpu.memory_space<vmem>>) target(%dma_start3A_90 : memref<10000xf32, #tpu.memory_space<vmem_shared>>) offsets(%dma_start3A_88 : memref<125xi32, #tpu.memory_space<vmem>>) semaphore(%arg7 : memref<!tpu.dma_semaphore, #tpu.memory_space<semaphore_mem>>) {add = true}
      %add3A_91 = arith.constant 1 : i32
      %add3A_92 = arith.addi %add3A_78, %add3A_91 : i32
      %ge3A_93 = arith.constant 2 : i32
      %ge3A_94 = arith.cmpi sge, %add3A_92, %ge3A_93 : i32
      %convert_element_type3A_95 = arith.extui %ge3A_94 : i1 to i32
      %cond3A_96 = arith.constant 0 : i32
      %cond3A_97 = arith.cmpi ne, %convert_element_type3A_95, %cond3A_96 : i32
      scf.if %cond3A_97 {
        %dma_wait3A_105 = arith.constant 0 : i32
        %dma_wait3A_106 = tpu.memref_slice %arg6[%dma_wait3A_105] : memref<128xf32, #tpu.memory_space<vmem>> -> memref<125xf32, #tpu.memory_space<vmem>>
        %dma_wait3A_107 = arith.constant 0 : i32
        %dma_wait3A_108 = tpu.memref_slice %arg5[%add3A_92, %dma_wait3A_107] : memref<160x125xi32, #tpu.memory_space<vmem>> -> memref<1x125xi32, #tpu.memory_space<vmem>>
        %dma_wait3A_109 = tpu.memref_squeeze %dma_wait3A_108 : memref<1x125xi32, #tpu.memory_space<vmem>> -> memref<125xi32, #tpu.memory_space<vmem>>
        %dma_wait3A_110 = arith.constant 0 : i32
        %dma_wait3A_111 = tpu.memref_slice %arg9[%dma_wait3A_110] : memref<10000xf32, #tpu.memory_space<vmem_shared>> -> memref<10000xf32, #tpu.memory_space<vmem_shared>>
        tpu.wait_indirect_dma semaphore(%arg8 : memref<!tpu.dma_semaphore, #tpu.memory_space<semaphore_mem>>) src(%dma_wait3A_106 : memref<125xf32, #tpu.memory_space<vmem>>) dst(%dma_wait3A_111 : memref<10000xf32, #tpu.memory_space<vmem_shared>>)
      } else {
      }
      %dma_start3A_98 = arith.constant 0 : i32
      %dma_start3A_99 = tpu.memref_slice %arg6[%dma_start3A_98] : memref<128xf32, #tpu.memory_space<vmem>> -> memref<125xf32, #tpu.memory_space<vmem>>
      %dma_start3A_100 = arith.constant 0 : i32
      %dma_start3A_101 = tpu.memref_slice %arg5[%add3A_92, %dma_start3A_100] : memref<160x125xi32, #tpu.memory_space<vmem>> -> memref<1x125xi32, #tpu.memory_space<vmem>>
      %dma_start3A_102 = tpu.memref_squeeze %dma_start3A_101 : memref<1x125xi32, #tpu.memory_space<vmem>> -> memref<125xi32, #tpu.memory_space<vmem>>
      %dma_start3A_103 = arith.constant 0 : i32
      %dma_start3A_104 = tpu.memref_slice %arg9[%dma_start3A_103] : memref<10000xf32, #tpu.memory_space<vmem_shared>> -> memref<10000xf32, #tpu.memory_space<vmem_shared>>
      tpu.enqueue_indirect_dma source(%dma_start3A_99 : memref<125xf32, #tpu.memory_space<vmem>>) target(%dma_start3A_104 : memref<10000xf32, #tpu.memory_space<vmem_shared>>) offsets(%dma_start3A_102 : memref<125xi32, #tpu.memory_space<vmem>>) semaphore(%arg8 : memref<!tpu.dma_semaphore, #tpu.memory_space<semaphore_mem>>) {add = true}
    }
    %scan3A_52 = arith.constant 80 : i32
    %dma_wait3A = arith.constant 158 : i32
    %dma_wait3A_53 = arith.constant 0 : i32
    %dma_wait3A_54 = tpu.memref_slice %arg6[%dma_wait3A_53] : memref<128xf32, #tpu.memory_space<vmem>> -> memref<125xf32, #tpu.memory_space<vmem>>
    %dma_wait3A_55 = arith.constant 0 : i32
    %dma_wait3A_56 = tpu.memref_slice %arg5[%dma_wait3A, %dma_wait3A_55] : memref<160x125xi32, #tpu.memory_space<vmem>> -> memref<1x125xi32, #tpu.memory_space<vmem>>
    %dma_wait3A_57 = tpu.memref_squeeze %dma_wait3A_56 : memref<1x125xi32, #tpu.memory_space<vmem>> -> memref<125xi32, #tpu.memory_space<vmem>>
    %dma_wait3A_58 = arith.constant 0 : i32
    %dma_wait3A_59 = tpu.memref_slice %arg9[%dma_wait3A_58] : memref<10000xf32, #tpu.memory_space<vmem_shared>> -> memref<10000xf32, #tpu.memory_space<vmem_shared>>
    tpu.wait_indirect_dma semaphore(%arg7 : memref<!tpu.dma_semaphore, #tpu.memory_space<semaphore_mem>>) src(%dma_wait3A_54 : memref<125xf32, #tpu.memory_space<vmem>>) dst(%dma_wait3A_59 : memref<10000xf32, #tpu.memory_space<vmem_shared>>)
    %dma_wait3A_60 = arith.constant 159 : i32
    %dma_wait3A_61 = arith.constant 0 : i32
    %dma_wait3A_62 = tpu.memref_slice %arg6[%dma_wait3A_61] : memref<128xf32, #tpu.memory_space<vmem>> -> memref<125xf32, #tpu.memory_space<vmem>>
    %dma_wait3A_63 = arith.constant 0 : i32
    %dma_wait3A_64 = tpu.memref_slice %arg5[%dma_wait3A_60, %dma_wait3A_63] : memref<160x125xi32, #tpu.memory_space<vmem>> -> memref<1x125xi32, #tpu.memory_space<vmem>>
    %dma_wait3A_65 = tpu.memref_squeeze %dma_wait3A_64 : memref<1x125xi32, #tpu.memory_space<vmem>> -> memref<125xi32, #tpu.memory_space<vmem>>
    %dma_wait3A_66 = arith.constant 0 : i32
    %dma_wait3A_67 = tpu.memref_slice %arg9[%dma_wait3A_66] : memref<10000xf32, #tpu.memory_space<vmem_shared>> -> memref<10000xf32, #tpu.memory_space<vmem_shared>>
    tpu.wait_indirect_dma semaphore(%arg8 : memref<!tpu.dma_semaphore, #tpu.memory_space<semaphore_mem>>) src(%dma_wait3A_62 : memref<125xf32, #tpu.memory_space<vmem>>) dst(%dma_wait3A_67 : memref<10000xf32, #tpu.memory_space<vmem_shared>>)
    %barrier3A_68 = arith.constant 0 : index
    tpu.barrier barrier_id(%barrier3A_68)
    %eq3A_69 = arith.constant 0 : i32
    %eq3A_70 = arith.cmpi eq, %arg1, %eq3A_69 : i32
    %convert_element_type3A_71 = arith.extui %eq3A_70 : i1 to i32
    %cond3A_72 = arith.constant 0 : i32
    %cond3A_73 = arith.cmpi ne, %convert_element_type3A_71, %cond3A_72 : i32
    scf.if %cond3A_73 {
      "tpu.region"() ({
        %run_scoped3A = tpu.sem_alloc : memref<!tpu.dma_semaphore, #tpu.memory_space<semaphore_mem>>
        %dma_start3A = arith.constant 0 : i32
        %dma_start3A_74 = tpu.memref_slice %arg4[%arg0, %dma_start3A] : memref<2x10000xf32, #tpu.memory_space<hbm>> -> memref<1x10000xf32, #tpu.memory_space<hbm>>
        %dma_start3A_75 = tpu.memref_squeeze %dma_start3A_74 : memref<1x10000xf32, #tpu.memory_space<hbm>> -> memref<10000xf32, #tpu.memory_space<hbm>>
        tpu.enqueue_dma source(%arg9 : memref<10000xf32, #tpu.memory_space<vmem_shared>>) target(%dma_start3A_75 : memref<10000xf32, #tpu.memory_space<hbm>>) target_semaphore(%run_scoped3A : memref<!tpu.dma_semaphore, #tpu.memory_space<semaphore_mem>>)
        %dma_wait3A_76 = arith.constant 0 : i32
        %dma_wait3A_77 = tpu.memref_slice %arg4[%arg0, %dma_wait3A_76] : memref<2x10000xf32, #tpu.memory_space<hbm>> -> memref<1x10000xf32, #tpu.memory_space<hbm>>
        %dma_wait3A_78 = tpu.memref_squeeze %dma_wait3A_77 : memref<1x10000xf32, #tpu.memory_space<hbm>> -> memref<10000xf32, #tpu.memory_space<hbm>>
        tpu.wait_dma2 semaphore(%run_scoped3A : memref<!tpu.dma_semaphore, #tpu.memory_space<semaphore_mem>>) src(%arg9 : memref<10000xf32, #tpu.memory_space<vmem_shared>>) dst(%dma_wait3A_78 : memref<10000xf32, #tpu.memory_space<hbm>>)
        tpu.yield
      }) : () -> ()
    } else {
    }
    return
  }
}

#map = affine_map<(d0, d1) -> (0, 0, 0, 0)>
#map1 = affine_map<(d0, d1) -> (0, 0)>
module attributes {stable_mosaic.version = 14 : i64} {
  func.func @_agg_body(%arg0: i32, %arg1: i32, %arg2: memref<16x4x80x125xi32, #tpu.memory_space<hbm>>, %arg3: memref<16x4x80x125xi32, #tpu.memory_space<hbm>>, %arg4: memref<10000x64xbf16, #tpu.memory_space<hbm>>, %arg5: memref<10000x64xbf16, #tpu.memory_space<hbm>>, %arg6: memref<10000x64xbf16, #tpu.memory_space<hbm>>, %arg7: memref<2x4x10000x64xbf16, #tpu.memory_space<hbm>>, %arg8: memref<80x125xi32, #tpu.memory_space<vmem>>, %arg9: memref<80x125xi32, #tpu.memory_space<vmem>>, %arg10: memref<125x64xbf16, #tpu.memory_space<vmem>>, %arg11: memref<125x64xbf16, #tpu.memory_space<vmem>>, %arg12: memref<!tpu.dma_semaphore, #tpu.memory_space<semaphore_mem>>, %arg13: memref<!tpu.dma_semaphore, #tpu.memory_space<semaphore_mem>>, %arg14: memref<10000x64xbf16, #tpu.memory_space<vmem_shared>>, %arg15: memref<10000x64xbf16, #tpu.memory_space<vmem_shared>>, %arg16: memref<10000x64xbf16, #tpu.memory_space<vmem_shared>>, %arg17: memref<10000x64xbf16, #tpu.memory_space<vmem_shared>>) attributes {dimension_semantics = [#tpu.dimension_semantics<core_parallel>, #tpu.dimension_semantics<subcore_parallel>], iteration_bounds = array<i64: 2, 16>, scalar_prefetch = 0 : i64, scratch_operands = 10 : i64, tpu.core_type = #tpu.core_type<sc_vector_subcore>, window_params = [{transform_indices = #map}, {transform_indices = #map}, {transform_indices = #map1}, {transform_indices = #map1}, {transform_indices = #map1}, {transform_indices = #map}]} {
    %eq3A = arith.constant 0 : i32
    %eq3A_0 = arith.cmpi eq, %arg1, %eq3A : i32
    %convert_element_type3A = arith.extui %eq3A_0 : i1 to i32
    %cond3A = arith.constant 0 : i32
    %cond3A_1 = arith.cmpi ne, %convert_element_type3A, %cond3A : i32
    scf.if %cond3A_1 {
      %eq3A_67 = arith.constant 0 : i32
      %eq3A_68 = arith.cmpi eq, %arg0, %eq3A_67 : i32
      %convert_element_type3A_69 = arith.extui %eq3A_68 : i1 to i32
      %cond3A_70 = arith.constant 0 : i32
      %cond3A_71 = arith.cmpi ne, %convert_element_type3A_69, %cond3A_70 : i32
      scf.if %cond3A_71 {
        "tpu.region"() ({
          %run_scoped3A = tpu.sem_alloc : memref<!tpu.dma_semaphore, #tpu.memory_space<semaphore_mem>>
          tpu.enqueue_dma source(%arg4 : memref<10000x64xbf16, #tpu.memory_space<hbm>>) target(%arg14 : memref<10000x64xbf16, #tpu.memory_space<vmem_shared>>) target_semaphore(%run_scoped3A : memref<!tpu.dma_semaphore, #tpu.memory_space<semaphore_mem>>)
          tpu.wait_dma2 semaphore(%run_scoped3A : memref<!tpu.dma_semaphore, #tpu.memory_space<semaphore_mem>>) src(%arg4 : memref<10000x64xbf16, #tpu.memory_space<hbm>>) dst(%arg14 : memref<10000x64xbf16, #tpu.memory_space<vmem_shared>>)
          tpu.yield
        }) : () -> ()
      } else {
      }
      %gt3A_72 = arith.constant 0 : i32
      %gt3A_73 = arith.cmpi sgt, %arg0, %gt3A_72 : i32
      %convert_element_type3A_74 = arith.extui %gt3A_73 : i1 to i32
      %cond3A_75 = arith.constant 0 : i32
      %cond3A_76 = arith.cmpi ne, %convert_element_type3A_74, %cond3A_75 : i32
      scf.if %cond3A_76 {
        "tpu.region"() ({
          %run_scoped3A = tpu.sem_alloc : memref<!tpu.dma_semaphore, #tpu.memory_space<semaphore_mem>>
          tpu.enqueue_dma source(%arg5 : memref<10000x64xbf16, #tpu.memory_space<hbm>>) target(%arg14 : memref<10000x64xbf16, #tpu.memory_space<vmem_shared>>) target_semaphore(%run_scoped3A : memref<!tpu.dma_semaphore, #tpu.memory_space<semaphore_mem>>)
          tpu.wait_dma2 semaphore(%run_scoped3A : memref<!tpu.dma_semaphore, #tpu.memory_space<semaphore_mem>>) src(%arg5 : memref<10000x64xbf16, #tpu.memory_space<hbm>>) dst(%arg14 : memref<10000x64xbf16, #tpu.memory_space<vmem_shared>>)
          tpu.yield
        }) : () -> ()
      } else {
      }
    } else {
    }
    %eq3A_2 = arith.constant 1 : i32
    %eq3A_3 = arith.cmpi eq, %arg1, %eq3A_2 : i32
    %convert_element_type3A_4 = arith.extui %eq3A_3 : i1 to i32
    %cond3A_5 = arith.constant 0 : i32
    %cond3A_6 = arith.cmpi ne, %convert_element_type3A_4, %cond3A_5 : i32
    scf.if %cond3A_6 {
      "tpu.region"() ({
        %run_scoped3A = tpu.sem_alloc : memref<!tpu.dma_semaphore, #tpu.memory_space<semaphore_mem>>
        tpu.enqueue_dma source(%arg6 : memref<10000x64xbf16, #tpu.memory_space<hbm>>) target(%arg15 : memref<10000x64xbf16, #tpu.memory_space<vmem_shared>>) target_semaphore(%run_scoped3A : memref<!tpu.dma_semaphore, #tpu.memory_space<semaphore_mem>>)
        tpu.wait_dma2 semaphore(%run_scoped3A : memref<!tpu.dma_semaphore, #tpu.memory_space<semaphore_mem>>) src(%arg6 : memref<10000x64xbf16, #tpu.memory_space<hbm>>) dst(%arg15 : memref<10000x64xbf16, #tpu.memory_space<vmem_shared>>)
        tpu.yield
      }) : () -> ()
    } else {
    }
    %eq3A_7 = arith.constant 2 : i32
    %eq3A_8 = arith.cmpi eq, %arg1, %eq3A_7 : i32
    %convert_element_type3A_9 = arith.extui %eq3A_8 : i1 to i32
    %cond3A_10 = arith.constant 0 : i32
    %cond3A_11 = arith.cmpi ne, %convert_element_type3A_9, %cond3A_10 : i32
    scf.if %cond3A_11 {
      "tpu.region"() ({
        %run_scoped3A = tpu.sem_alloc : memref<!tpu.dma_semaphore, #tpu.memory_space<semaphore_mem>>
        tpu.enqueue_dma source(%arg6 : memref<10000x64xbf16, #tpu.memory_space<hbm>>) target(%arg16 : memref<10000x64xbf16, #tpu.memory_space<vmem_shared>>) target_semaphore(%run_scoped3A : memref<!tpu.dma_semaphore, #tpu.memory_space<semaphore_mem>>)
        tpu.wait_dma2 semaphore(%run_scoped3A : memref<!tpu.dma_semaphore, #tpu.memory_space<semaphore_mem>>) src(%arg6 : memref<10000x64xbf16, #tpu.memory_space<hbm>>) dst(%arg16 : memref<10000x64xbf16, #tpu.memory_space<vmem_shared>>)
        tpu.yield
      }) : () -> ()
    } else {
    }
    %eq3A_12 = arith.constant 3 : i32
    %eq3A_13 = arith.cmpi eq, %arg1, %eq3A_12 : i32
    %convert_element_type3A_14 = arith.extui %eq3A_13 : i1 to i32
    %cond3A_15 = arith.constant 0 : i32
    %cond3A_16 = arith.cmpi ne, %convert_element_type3A_14, %cond3A_15 : i32
    scf.if %cond3A_16 {
      "tpu.region"() ({
        %run_scoped3A = tpu.sem_alloc : memref<!tpu.dma_semaphore, #tpu.memory_space<semaphore_mem>>
        tpu.enqueue_dma source(%arg6 : memref<10000x64xbf16, #tpu.memory_space<hbm>>) target(%arg17 : memref<10000x64xbf16, #tpu.memory_space<vmem_shared>>) target_semaphore(%run_scoped3A : memref<!tpu.dma_semaphore, #tpu.memory_space<semaphore_mem>>)
        tpu.wait_dma2 semaphore(%run_scoped3A : memref<!tpu.dma_semaphore, #tpu.memory_space<semaphore_mem>>) src(%arg6 : memref<10000x64xbf16, #tpu.memory_space<hbm>>) dst(%arg17 : memref<10000x64xbf16, #tpu.memory_space<vmem_shared>>)
        tpu.yield
      }) : () -> ()
    } else {
    }
    %barrier3A = arith.constant 0 : index
    tpu.barrier barrier_id(%barrier3A)
    %eq3A_17 = arith.constant 0 : i32
    %eq3A_18 = arith.cmpi eq, %arg0, %eq3A_17 : i32
    %convert_element_type3A_19 = arith.extui %eq3A_18 : i1 to i32
    %cond3A_20 = arith.constant 0 : i32
    %cond3A_21 = arith.cmpi ne, %convert_element_type3A_19, %cond3A_20 : i32
    scf.if %cond3A_21 {
      %scan3A = arith.constant 0 : i32
      %scan3A_67 = arith.constant 4 : i32
      %scan3A_68 = arith.addi %scan3A, %scan3A_67 : i32
      %scan3A_69 = arith.constant 1 : i32
      scf.for %scan3A_71 = %scan3A to %scan3A_68 step %scan3A_69  : i32 {
        %mul3A_72 = arith.constant 1 : i32
        %mul3A_73 = arith.muli %scan3A_71, %mul3A_72 : i32
        %add3A = arith.constant 0 : i32
        %add3A_74 = arith.addi %add3A, %mul3A_73 : i32
        "tpu.region"() ({
          %run_scoped3A = tpu.sem_alloc : memref<!tpu.dma_semaphore, #tpu.memory_space<semaphore_mem>>
          %dma_start3A_93 = arith.constant 0 : i32
          %dma_start3A_94 = arith.constant 0 : i32
          %dma_start3A_95 = tpu.memref_slice %arg2[%arg1, %add3A_74, %dma_start3A_93, %dma_start3A_94] : memref<16x4x80x125xi32, #tpu.memory_space<hbm>> -> memref<1x1x80x125xi32, #tpu.memory_space<hbm>>
          %dma_start3A_96 = tpu.memref_squeeze %dma_start3A_95 : memref<1x1x80x125xi32, #tpu.memory_space<hbm>> -> memref<80x125xi32, #tpu.memory_space<hbm>>
          %dma_start3A_97 = arith.constant 0 : i32
          %dma_start3A_98 = arith.constant 0 : i32
          %dma_start3A_99 = tpu.memref_slice %arg2[%arg1, %add3A_74, %dma_start3A_97, %dma_start3A_98] : memref<16x4x80x125xi32, #tpu.memory_space<hbm>> -> memref<1x1x80x125xi32, #tpu.memory_space<hbm>>
          %dma_start3A_100 = tpu.memref_squeeze %dma_start3A_99 : memref<1x1x80x125xi32, #tpu.memory_space<hbm>> -> memref<80x125xi32, #tpu.memory_space<hbm>>
          tpu.enqueue_dma source(%dma_start3A_100 : memref<80x125xi32, #tpu.memory_space<hbm>>) target(%arg8 : memref<80x125xi32, #tpu.memory_space<vmem>>) target_semaphore(%run_scoped3A : memref<!tpu.dma_semaphore, #tpu.memory_space<semaphore_mem>>)
          %dma_wait3A = arith.constant 0 : i32
          %dma_wait3A_101 = arith.constant 0 : i32
          %dma_wait3A_102 = tpu.memref_slice %arg2[%arg1, %add3A_74, %dma_wait3A, %dma_wait3A_101] : memref<16x4x80x125xi32, #tpu.memory_space<hbm>> -> memref<1x1x80x125xi32, #tpu.memory_space<hbm>>
          %dma_wait3A_103 = tpu.memref_squeeze %dma_wait3A_102 : memref<1x1x80x125xi32, #tpu.memory_space<hbm>> -> memref<80x125xi32, #tpu.memory_space<hbm>>
          %dma_wait3A_104 = arith.constant 0 : i32
          %dma_wait3A_105 = arith.constant 0 : i32
          %dma_wait3A_106 = tpu.memref_slice %arg2[%arg1, %add3A_74, %dma_wait3A_104, %dma_wait3A_105] : memref<16x4x80x125xi32, #tpu.memory_space<hbm>> -> memref<1x1x80x125xi32, #tpu.memory_space<hbm>>
          %dma_wait3A_107 = tpu.memref_squeeze %dma_wait3A_106 : memref<1x1x80x125xi32, #tpu.memory_space<hbm>> -> memref<80x125xi32, #tpu.memory_space<hbm>>
          tpu.wait_dma2 semaphore(%run_scoped3A : memref<!tpu.dma_semaphore, #tpu.memory_space<semaphore_mem>>) src(%dma_wait3A_107 : memref<80x125xi32, #tpu.memory_space<hbm>>) dst(%arg8 : memref<80x125xi32, #tpu.memory_space<vmem>>)
          tpu.yield
        }) : () -> ()
        "tpu.region"() ({
          %run_scoped3A = tpu.sem_alloc : memref<!tpu.dma_semaphore, #tpu.memory_space<semaphore_mem>>
          %dma_start3A_93 = arith.constant 0 : i32
          %dma_start3A_94 = arith.constant 0 : i32
          %dma_start3A_95 = tpu.memref_slice %arg3[%arg1, %add3A_74, %dma_start3A_93, %dma_start3A_94] : memref<16x4x80x125xi32, #tpu.memory_space<hbm>> -> memref<1x1x80x125xi32, #tpu.memory_space<hbm>>
          %dma_start3A_96 = tpu.memref_squeeze %dma_start3A_95 : memref<1x1x80x125xi32, #tpu.memory_space<hbm>> -> memref<80x125xi32, #tpu.memory_space<hbm>>
          %dma_start3A_97 = arith.constant 0 : i32
          %dma_start3A_98 = arith.constant 0 : i32
          %dma_start3A_99 = tpu.memref_slice %arg3[%arg1, %add3A_74, %dma_start3A_97, %dma_start3A_98] : memref<16x4x80x125xi32, #tpu.memory_space<hbm>> -> memref<1x1x80x125xi32, #tpu.memory_space<hbm>>
          %dma_start3A_100 = tpu.memref_squeeze %dma_start3A_99 : memref<1x1x80x125xi32, #tpu.memory_space<hbm>> -> memref<80x125xi32, #tpu.memory_space<hbm>>
          tpu.enqueue_dma source(%dma_start3A_100 : memref<80x125xi32, #tpu.memory_space<hbm>>) target(%arg9 : memref<80x125xi32, #tpu.memory_space<vmem>>) target_semaphore(%run_scoped3A : memref<!tpu.dma_semaphore, #tpu.memory_space<semaphore_mem>>)
          %dma_wait3A = arith.constant 0 : i32
          %dma_wait3A_101 = arith.constant 0 : i32
          %dma_wait3A_102 = tpu.memref_slice %arg3[%arg1, %add3A_74, %dma_wait3A, %dma_wait3A_101] : memref<16x4x80x125xi32, #tpu.memory_space<hbm>> -> memref<1x1x80x125xi32, #tpu.memory_space<hbm>>
          %dma_wait3A_103 = tpu.memref_squeeze %dma_wait3A_102 : memref<1x1x80x125xi32, #tpu.memory_space<hbm>> -> memref<80x125xi32, #tpu.memory_space<hbm>>
          %dma_wait3A_104 = arith.constant 0 : i32
          %dma_wait3A_105 = arith.constant 0 : i32
          %dma_wait3A_106 = tpu.memref_slice %arg3[%arg1, %add3A_74, %dma_wait3A_104, %dma_wait3A_105] : memref<16x4x80x125xi32, #tpu.memory_space<hbm>> -> memref<1x1x80x125xi32, #tpu.memory_space<hbm>>
          %dma_wait3A_107 = tpu.memref_squeeze %dma_wait3A_106 : memref<1x1x80x125xi32, #tpu.memory_space<hbm>> -> memref<80x125xi32, #tpu.memory_space<hbm>>
          tpu.wait_dma2 semaphore(%run_scoped3A : memref<!tpu.dma_semaphore, #tpu.memory_space<semaphore_mem>>) src(%dma_wait3A_107 : memref<80x125xi32, #tpu.memory_space<hbm>>) dst(%arg9 : memref<80x125xi32, #tpu.memory_space<vmem>>)
          tpu.yield
        }) : () -> ()
        %dma_start3A = arith.constant 0 : i32
        %dma_start3A_75 = arith.constant 0 : i32
        %dma_start3A_76 = tpu.memref_slice %arg8[%dma_start3A, %dma_start3A_75] : memref<80x125xi32, #tpu.memory_space<vmem>> -> memref<1x125xi32, #tpu.memory_space<vmem>>
        %dma_start3A_77 = tpu.memref_squeeze %dma_start3A_76 : memref<1x125xi32, #tpu.memory_space<vmem>> -> memref<125xi32, #tpu.memory_space<vmem>>
        %dma_start3A_78 = arith.constant 0 : i32
        %dma_start3A_79 = arith.constant 0 : i32
        %dma_start3A_80 = tpu.memref_slice %arg4[%dma_start3A_78, %dma_start3A_79] : memref<10000x64xbf16, #tpu.memory_space<hbm>> -> memref<10000x64xbf16, #tpu.memory_space<hbm>>
        tpu.enqueue_indirect_dma source(%dma_start3A_80 : memref<10000x64xbf16, #tpu.memory_space<hbm>>) target(%arg10 : memref<125x64xbf16, #tpu.memory_space<vmem>>) offsets(%dma_start3A_77 : memref<125xi32, #tpu.memory_space<vmem>>) semaphore(%arg12 : memref<!tpu.dma_semaphore, #tpu.memory_space<semaphore_mem>>)
        %dma_start3A_81 = arith.constant 1 : i32
        %dma_start3A_82 = arith.constant 0 : i32
        %dma_start3A_83 = tpu.memref_slice %arg8[%dma_start3A_81, %dma_start3A_82] : memref<80x125xi32, #tpu.memory_space<vmem>> -> memref<1x125xi32, #tpu.memory_space<vmem>>
        %dma_start3A_84 = tpu.memref_squeeze %dma_start3A_83 : memref<1x125xi32, #tpu.memory_space<vmem>> -> memref<125xi32, #tpu.memory_space<vmem>>
        %dma_start3A_85 = arith.constant 0 : i32
        %dma_start3A_86 = arith.constant 0 : i32
        %dma_start3A_87 = tpu.memref_slice %arg4[%dma_start3A_85, %dma_start3A_86] : memref<10000x64xbf16, #tpu.memory_space<hbm>> -> memref<10000x64xbf16, #tpu.memory_space<hbm>>
        tpu.enqueue_indirect_dma source(%dma_start3A_87 : memref<10000x64xbf16, #tpu.memory_space<hbm>>) target(%arg11 : memref<125x64xbf16, #tpu.memory_space<vmem>>) offsets(%dma_start3A_84 : memref<125xi32, #tpu.memory_space<vmem>>) semaphore(%arg13 : memref<!tpu.dma_semaphore, #tpu.memory_space<semaphore_mem>>)
        %scan3A_88 = arith.constant 0 : i32
        %scan3A_89 = arith.constant 20 : i32
        %scan3A_90 = arith.addi %scan3A_88, %scan3A_89 : i32
        %scan3A_91 = arith.constant 1 : i32
        scf.for %scan3A_93 = %scan3A_88 to %scan3A_90 step %scan3A_91  : i32 {
          %mul3A_94 = arith.constant 4 : i32
          %mul3A_95 = arith.muli %scan3A_93, %mul3A_94 : i32
          %add3A_96 = arith.constant 0 : i32
          %add3A_97 = arith.addi %add3A_96, %mul3A_95 : i32
          %add3A_98 = arith.constant 0 : i32
          %add3A_99 = arith.addi %add3A_97, %add3A_98 : i32
          %dma_wait3A = arith.constant 0 : i32
          %dma_wait3A_100 = tpu.memref_slice %arg8[%add3A_99, %dma_wait3A] : memref<80x125xi32, #tpu.memory_space<vmem>> -> memref<1x125xi32, #tpu.memory_space<vmem>>
          %dma_wait3A_101 = tpu.memref_squeeze %dma_wait3A_100 : memref<1x125xi32, #tpu.memory_space<vmem>> -> memref<125xi32, #tpu.memory_space<vmem>>
          %dma_wait3A_102 = arith.constant 0 : i32
          %dma_wait3A_103 = arith.constant 0 : i32
          %dma_wait3A_104 = tpu.memref_slice %arg4[%dma_wait3A_102, %dma_wait3A_103] : memref<10000x64xbf16, #tpu.memory_space<hbm>> -> memref<10000x64xbf16, #tpu.memory_space<hbm>>
          tpu.wait_indirect_dma semaphore(%arg12 : memref<!tpu.dma_semaphore, #tpu.memory_space<semaphore_mem>>) src(%dma_wait3A_104 : memref<10000x64xbf16, #tpu.memory_space<hbm>>) dst(%arg10 : memref<125x64xbf16, #tpu.memory_space<vmem>>)
          "tpu.region"() ({
            %run_scoped3A = tpu.sem_alloc : memref<!tpu.dma_semaphore, #tpu.memory_space<semaphore_mem>>
            %dma_start3A_157 = arith.constant 0 : i32
            %dma_start3A_158 = tpu.memref_slice %arg9[%add3A_99, %dma_start3A_157] : memref<80x125xi32, #tpu.memory_space<vmem>> -> memref<1x125xi32, #tpu.memory_space<vmem>>
            %dma_start3A_159 = tpu.memref_squeeze %dma_start3A_158 : memref<1x125xi32, #tpu.memory_space<vmem>> -> memref<125xi32, #tpu.memory_space<vmem>>
            %dma_start3A_160 = arith.constant 0 : i32
            %dma_start3A_161 = arith.constant 0 : i32
            %dma_start3A_162 = tpu.memref_slice %arg14[%dma_start3A_160, %dma_start3A_161] : memref<10000x64xbf16, #tpu.memory_space<vmem_shared>> -> memref<10000x64xbf16, #tpu.memory_space<vmem_shared>>
            tpu.enqueue_indirect_dma source(%arg10 : memref<125x64xbf16, #tpu.memory_space<vmem>>) target(%dma_start3A_162 : memref<10000x64xbf16, #tpu.memory_space<vmem_shared>>) offsets(%dma_start3A_159 : memref<125xi32, #tpu.memory_space<vmem>>) semaphore(%run_scoped3A : memref<!tpu.dma_semaphore, #tpu.memory_space<semaphore_mem>>) {add = true}
            %dma_wait3A_163 = arith.constant 0 : i32
            %dma_wait3A_164 = tpu.memref_slice %arg9[%add3A_99, %dma_wait3A_163] : memref<80x125xi32, #tpu.memory_space<vmem>> -> memref<1x125xi32, #tpu.memory_space<vmem>>
            %dma_wait3A_165 = tpu.memref_squeeze %dma_wait3A_164 : memref<1x125xi32, #tpu.memory_space<vmem>> -> memref<125xi32, #tpu.memory_space<vmem>>
            %dma_wait3A_166 = arith.constant 0 : i32
            %dma_wait3A_167 = arith.constant 0 : i32
            %dma_wait3A_168 = tpu.memref_slice %arg14[%dma_wait3A_166, %dma_wait3A_167] : memref<10000x64xbf16, #tpu.memory_space<vmem_shared>> -> memref<10000x64xbf16, #tpu.memory_space<vmem_shared>>
            tpu.wait_indirect_dma semaphore(%run_scoped3A : memref<!tpu.dma_semaphore, #tpu.memory_space<semaphore_mem>>) src(%arg10 : memref<125x64xbf16, #tpu.memory_space<vmem>>) dst(%dma_wait3A_168 : memref<10000x64xbf16, #tpu.memory_space<vmem_shared>>)
            tpu.yield
          }) : () -> ()
          %add3A_105 = arith.constant 2 : i32
          %add3A_106 = arith.addi %add3A_99, %add3A_105 : i32
          %lt3A_107 = arith.constant 80 : i32
          %lt3A_108 = arith.cmpi slt, %add3A_106, %lt3A_107 : i32
          %convert_element_type3A_109 = arith.extui %lt3A_108 : i1 to i32
          %cond3A_110 = arith.constant 0 : i32
          %cond3A_111 = arith.cmpi ne, %convert_element_type3A_109, %cond3A_110 : i32
          scf.if %cond3A_111 {
            %add3A_157 = arith.constant 2 : i32
            %add3A_158 = arith.addi %add3A_99, %add3A_157 : i32
            %dma_start3A_159 = arith.constant 0 : i32
            %dma_start3A_160 = tpu.memref_slice %arg8[%add3A_158, %dma_start3A_159] : memref<80x125xi32, #tpu.memory_space<vmem>> -> memref<1x125xi32, #tpu.memory_space<vmem>>
            %dma_start3A_161 = tpu.memref_squeeze %dma_start3A_160 : memref<1x125xi32, #tpu.memory_space<vmem>> -> memref<125xi32, #tpu.memory_space<vmem>>
            %dma_start3A_162 = arith.constant 0 : i32
            %dma_start3A_163 = arith.constant 0 : i32
            %dma_start3A_164 = tpu.memref_slice %arg4[%dma_start3A_162, %dma_start3A_163] : memref<10000x64xbf16, #tpu.memory_space<hbm>> -> memref<10000x64xbf16, #tpu.memory_space<hbm>>
            tpu.enqueue_indirect_dma source(%dma_start3A_164 : memref<10000x64xbf16, #tpu.memory_space<hbm>>) target(%arg10 : memref<125x64xbf16, #tpu.memory_space<vmem>>) offsets(%dma_start3A_161 : memref<125xi32, #tpu.memory_space<vmem>>) semaphore(%arg12 : memref<!tpu.dma_semaphore, #tpu.memory_space<semaphore_mem>>)
          } else {
          }
          %add3A_112 = arith.constant 1 : i32
          %add3A_113 = arith.addi %add3A_97, %add3A_112 : i32
          %dma_wait3A_114 = arith.constant 0 : i32
          %dma_wait3A_115 = tpu.memref_slice %arg8[%add3A_113, %dma_wait3A_114] : memref<80x125xi32, #tpu.memory_space<vmem>> -> memref<1x125xi32, #tpu.memory_space<vmem>>
          %dma_wait3A_116 = tpu.memref_squeeze %dma_wait3A_115 : memref<1x125xi32, #tpu.memory_space<vmem>> -> memref<125xi32, #tpu.memory_space<vmem>>
          %dma_wait3A_117 = arith.constant 0 : i32
          %dma_wait3A_118 = arith.constant 0 : i32
          %dma_wait3A_119 = tpu.memref_slice %arg4[%dma_wait3A_117, %dma_wait3A_118] : memref<10000x64xbf16, #tpu.memory_space<hbm>> -> memref<10000x64xbf16, #tpu.memory_space<hbm>>
          tpu.wait_indirect_dma semaphore(%arg13 : memref<!tpu.dma_semaphore, #tpu.memory_space<semaphore_mem>>) src(%dma_wait3A_119 : memref<10000x64xbf16, #tpu.memory_space<hbm>>) dst(%arg11 : memref<125x64xbf16, #tpu.memory_space<vmem>>)
          "tpu.region"() ({
            %run_scoped3A = tpu.sem_alloc : memref<!tpu.dma_semaphore, #tpu.memory_space<semaphore_mem>>
            %dma_start3A_157 = arith.constant 0 : i32
            %dma_start3A_158 = tpu.memref_slice %arg9[%add3A_113, %dma_start3A_157] : memref<80x125xi32, #tpu.memory_space<vmem>> -> memref<1x125xi32, #tpu.memory_space<vmem>>
            %dma_start3A_159 = tpu.memref_squeeze %dma_start3A_158 : memref<1x125xi32, #tpu.memory_space<vmem>> -> memref<125xi32, #tpu.memory_space<vmem>>
            %dma_start3A_160 = arith.constant 0 : i32
            %dma_start3A_161 = arith.constant 0 : i32
            %dma_start3A_162 = tpu.memref_slice %arg15[%dma_start3A_160, %dma_start3A_161] : memref<10000x64xbf16, #tpu.memory_space<vmem_shared>> -> memref<10000x64xbf16, #tpu.memory_space<vmem_shared>>
            tpu.enqueue_indirect_dma source(%arg11 : memref<125x64xbf16, #tpu.memory_space<vmem>>) target(%dma_start3A_162 : memref<10000x64xbf16, #tpu.memory_space<vmem_shared>>) offsets(%dma_start3A_159 : memref<125xi32, #tpu.memory_space<vmem>>) semaphore(%run_scoped3A : memref<!tpu.dma_semaphore, #tpu.memory_space<semaphore_mem>>) {add = true}
            %dma_wait3A_163 = arith.constant 0 : i32
            %dma_wait3A_164 = tpu.memref_slice %arg9[%add3A_113, %dma_wait3A_163] : memref<80x125xi32, #tpu.memory_space<vmem>> -> memref<1x125xi32, #tpu.memory_space<vmem>>
            %dma_wait3A_165 = tpu.memref_squeeze %dma_wait3A_164 : memref<1x125xi32, #tpu.memory_space<vmem>> -> memref<125xi32, #tpu.memory_space<vmem>>
            %dma_wait3A_166 = arith.constant 0 : i32
            %dma_wait3A_167 = arith.constant 0 : i32
            %dma_wait3A_168 = tpu.memref_slice %arg15[%dma_wait3A_166, %dma_wait3A_167] : memref<10000x64xbf16, #tpu.memory_space<vmem_shared>> -> memref<10000x64xbf16, #tpu.memory_space<vmem_shared>>
            tpu.wait_indirect_dma semaphore(%run_scoped3A : memref<!tpu.dma_semaphore, #tpu.memory_space<semaphore_mem>>) src(%arg11 : memref<125x64xbf16, #tpu.memory_space<vmem>>) dst(%dma_wait3A_168 : memref<10000x64xbf16, #tpu.memory_space<vmem_shared>>)
            tpu.yield
          }) : () -> ()
          %add3A_120 = arith.constant 2 : i32
          %add3A_121 = arith.addi %add3A_113, %add3A_120 : i32
          %lt3A_122 = arith.constant 80 : i32
          %lt3A_123 = arith.cmpi slt, %add3A_121, %lt3A_122 : i32
          %convert_element_type3A_124 = arith.extui %lt3A_123 : i1 to i32
          %cond3A_125 = arith.constant 0 : i32
          %cond3A_126 = arith.cmpi ne, %convert_element_type3A_124, %cond3A_125 : i32
          scf.if %cond3A_126 {
            %add3A_157 = arith.constant 2 : i32
            %add3A_158 = arith.addi %add3A_113, %add3A_157 : i32
            %dma_start3A_159 = arith.constant 0 : i32
            %dma_start3A_160 = tpu.memref_slice %arg8[%add3A_158, %dma_start3A_159] : memref<80x125xi32, #tpu.memory_space<vmem>> -> memref<1x125xi32, #tpu.memory_space<vmem>>
            %dma_start3A_161 = tpu.memref_squeeze %dma_start3A_160 : memref<1x125xi32, #tpu.memory_space<vmem>> -> memref<125xi32, #tpu.memory_space<vmem>>
            %dma_start3A_162 = arith.constant 0 : i32
            %dma_start3A_163 = arith.constant 0 : i32
            %dma_start3A_164 = tpu.memref_slice %arg4[%dma_start3A_162, %dma_start3A_163] : memref<10000x64xbf16, #tpu.memory_space<hbm>> -> memref<10000x64xbf16, #tpu.memory_space<hbm>>
            tpu.enqueue_indirect_dma source(%dma_start3A_164 : memref<10000x64xbf16, #tpu.memory_space<hbm>>) target(%arg11 : memref<125x64xbf16, #tpu.memory_space<vmem>>) offsets(%dma_start3A_161 : memref<125xi32, #tpu.memory_space<vmem>>) semaphore(%arg13 : memref<!tpu.dma_semaphore, #tpu.memory_space<semaphore_mem>>)
          } else {
          }
          %add3A_127 = arith.constant 2 : i32
          %add3A_128 = arith.addi %add3A_97, %add3A_127 : i32
          %dma_wait3A_129 = arith.constant 0 : i32
          %dma_wait3A_130 = tpu.memref_slice %arg8[%add3A_128, %dma_wait3A_129] : memref<80x125xi32, #tpu.memory_space<vmem>> -> memref<1x125xi32, #tpu.memory_space<vmem>>
          %dma_wait3A_131 = tpu.memref_squeeze %dma_wait3A_130 : memref<1x125xi32, #tpu.memory_space<vmem>> -> memref<125xi32, #tpu.memory_space<vmem>>
          %dma_wait3A_132 = arith.constant 0 : i32
          %dma_wait3A_133 = arith.constant 0 : i32
          %dma_wait3A_134 = tpu.memref_slice %arg4[%dma_wait3A_132, %dma_wait3A_133] : memref<10000x64xbf16, #tpu.memory_space<hbm>> -> memref<10000x64xbf16, #tpu.memory_space<hbm>>
          tpu.wait_indirect_dma semaphore(%arg12 : memref<!tpu.dma_semaphore, #tpu.memory_space<semaphore_mem>>) src(%dma_wait3A_134 : memref<10000x64xbf16, #tpu.memory_space<hbm>>) dst(%arg10 : memref<125x64xbf16, #tpu.memory_space<vmem>>)
          "tpu.region"() ({
            %run_scoped3A = tpu.sem_alloc : memref<!tpu.dma_semaphore, #tpu.memory_space<semaphore_mem>>
            %dma_start3A_157 = arith.constant 0 : i32
            %dma_start3A_158 = tpu.memref_slice %arg9[%add3A_128, %dma_start3A_157] : memref<80x125xi32, #tpu.memory_space<vmem>> -> memref<1x125xi32, #tpu.memory_space<vmem>>
            %dma_start3A_159 = tpu.memref_squeeze %dma_start3A_158 : memref<1x125xi32, #tpu.memory_space<vmem>> -> memref<125xi32, #tpu.memory_space<vmem>>
            %dma_start3A_160 = arith.constant 0 : i32
            %dma_start3A_161 = arith.constant 0 : i32
            %dma_start3A_162 = tpu.memref_slice %arg16[%dma_start3A_160, %dma_start3A_161] : memref<10000x64xbf16, #tpu.memory_space<vmem_shared>> -> memref<10000x64xbf16, #tpu.memory_space<vmem_shared>>
            tpu.enqueue_indirect_dma source(%arg10 : memref<125x64xbf16, #tpu.memory_space<vmem>>) target(%dma_start3A_162 : memref<10000x64xbf16, #tpu.memory_space<vmem_shared>>) offsets(%dma_start3A_159 : memref<125xi32, #tpu.memory_space<vmem>>) semaphore(%run_scoped3A : memref<!tpu.dma_semaphore, #tpu.memory_space<semaphore_mem>>) {add = true}
            %dma_wait3A_163 = arith.constant 0 : i32
            %dma_wait3A_164 = tpu.memref_slice %arg9[%add3A_128, %dma_wait3A_163] : memref<80x125xi32, #tpu.memory_space<vmem>> -> memref<1x125xi32, #tpu.memory_space<vmem>>
            %dma_wait3A_165 = tpu.memref_squeeze %dma_wait3A_164 : memref<1x125xi32, #tpu.memory_space<vmem>> -> memref<125xi32, #tpu.memory_space<vmem>>
            %dma_wait3A_166 = arith.constant 0 : i32
            %dma_wait3A_167 = arith.constant 0 : i32
            %dma_wait3A_168 = tpu.memref_slice %arg16[%dma_wait3A_166, %dma_wait3A_167] : memref<10000x64xbf16, #tpu.memory_space<vmem_shared>> -> memref<10000x64xbf16, #tpu.memory_space<vmem_shared>>
            tpu.wait_indirect_dma semaphore(%run_scoped3A : memref<!tpu.dma_semaphore, #tpu.memory_space<semaphore_mem>>) src(%arg10 : memref<125x64xbf16, #tpu.memory_space<vmem>>) dst(%dma_wait3A_168 : memref<10000x64xbf16, #tpu.memory_space<vmem_shared>>)
            tpu.yield
          }) : () -> ()
          %add3A_135 = arith.constant 2 : i32
          %add3A_136 = arith.addi %add3A_128, %add3A_135 : i32
          %lt3A_137 = arith.constant 80 : i32
          %lt3A_138 = arith.cmpi slt, %add3A_136, %lt3A_137 : i32
          %convert_element_type3A_139 = arith.extui %lt3A_138 : i1 to i32
          %cond3A_140 = arith.constant 0 : i32
          %cond3A_141 = arith.cmpi ne, %convert_element_type3A_139, %cond3A_140 : i32
          scf.if %cond3A_141 {
            %add3A_157 = arith.constant 2 : i32
            %add3A_158 = arith.addi %add3A_128, %add3A_157 : i32
            %dma_start3A_159 = arith.constant 0 : i32
            %dma_start3A_160 = tpu.memref_slice %arg8[%add3A_158, %dma_start3A_159] : memref<80x125xi32, #tpu.memory_space<vmem>> -> memref<1x125xi32, #tpu.memory_space<vmem>>
            %dma_start3A_161 = tpu.memref_squeeze %dma_start3A_160 : memref<1x125xi32, #tpu.memory_space<vmem>> -> memref<125xi32, #tpu.memory_space<vmem>>
            %dma_start3A_162 = arith.constant 0 : i32
            %dma_start3A_163 = arith.constant 0 : i32
            %dma_start3A_164 = tpu.memref_slice %arg4[%dma_start3A_162, %dma_start3A_163] : memref<10000x64xbf16, #tpu.memory_space<hbm>> -> memref<10000x64xbf16, #tpu.memory_space<hbm>>
            tpu.enqueue_indirect_dma source(%dma_start3A_164 : memref<10000x64xbf16, #tpu.memory_space<hbm>>) target(%arg10 : memref<125x64xbf16, #tpu.memory_space<vmem>>) offsets(%dma_start3A_161 : memref<125xi32, #tpu.memory_space<vmem>>) semaphore(%arg12 : memref<!tpu.dma_semaphore, #tpu.memory_space<semaphore_mem>>)
          } else {
          }
          %add3A_142 = arith.constant 3 : i32
          %add3A_143 = arith.addi %add3A_97, %add3A_142 : i32
          %dma_wait3A_144 = arith.constant 0 : i32
          %dma_wait3A_145 = tpu.memref_slice %arg8[%add3A_143, %dma_wait3A_144] : memref<80x125xi32, #tpu.memory_space<vmem>> -> memref<1x125xi32, #tpu.memory_space<vmem>>
          %dma_wait3A_146 = tpu.memref_squeeze %dma_wait3A_145 : memref<1x125xi32, #tpu.memory_space<vmem>> -> memref<125xi32, #tpu.memory_space<vmem>>
          %dma_wait3A_147 = arith.constant 0 : i32
          %dma_wait3A_148 = arith.constant 0 : i32
          %dma_wait3A_149 = tpu.memref_slice %arg4[%dma_wait3A_147, %dma_wait3A_148] : memref<10000x64xbf16, #tpu.memory_space<hbm>> -> memref<10000x64xbf16, #tpu.memory_space<hbm>>
          tpu.wait_indirect_dma semaphore(%arg13 : memref<!tpu.dma_semaphore, #tpu.memory_space<semaphore_mem>>) src(%dma_wait3A_149 : memref<10000x64xbf16, #tpu.memory_space<hbm>>) dst(%arg11 : memref<125x64xbf16, #tpu.memory_space<vmem>>)
          "tpu.region"() ({
            %run_scoped3A = tpu.sem_alloc : memref<!tpu.dma_semaphore, #tpu.memory_space<semaphore_mem>>
            %dma_start3A_157 = arith.constant 0 : i32
            %dma_start3A_158 = tpu.memref_slice %arg9[%add3A_143, %dma_start3A_157] : memref<80x125xi32, #tpu.memory_space<vmem>> -> memref<1x125xi32, #tpu.memory_space<vmem>>
            %dma_start3A_159 = tpu.memref_squeeze %dma_start3A_158 : memref<1x125xi32, #tpu.memory_space<vmem>> -> memref<125xi32, #tpu.memory_space<vmem>>
            %dma_start3A_160 = arith.constant 0 : i32
            %dma_start3A_161 = arith.constant 0 : i32
            %dma_start3A_162 = tpu.memref_slice %arg17[%dma_start3A_160, %dma_start3A_161] : memref<10000x64xbf16, #tpu.memory_space<vmem_shared>> -> memref<10000x64xbf16, #tpu.memory_space<vmem_shared>>
            tpu.enqueue_indirect_dma source(%arg11 : memref<125x64xbf16, #tpu.memory_space<vmem>>) target(%dma_start3A_162 : memref<10000x64xbf16, #tpu.memory_space<vmem_shared>>) offsets(%dma_start3A_159 : memref<125xi32, #tpu.memory_space<vmem>>) semaphore(%run_scoped3A : memref<!tpu.dma_semaphore, #tpu.memory_space<semaphore_mem>>) {add = true}
            %dma_wait3A_163 = arith.constant 0 : i32
            %dma_wait3A_164 = tpu.memref_slice %arg9[%add3A_143, %dma_wait3A_163] : memref<80x125xi32, #tpu.memory_space<vmem>> -> memref<1x125xi32, #tpu.memory_space<vmem>>
            %dma_wait3A_165 = tpu.memref_squeeze %dma_wait3A_164 : memref<1x125xi32, #tpu.memory_space<vmem>> -> memref<125xi32, #tpu.memory_space<vmem>>
            %dma_wait3A_166 = arith.constant 0 : i32
            %dma_wait3A_167 = arith.constant 0 : i32
            %dma_wait3A_168 = tpu.memref_slice %arg17[%dma_wait3A_166, %dma_wait3A_167] : memref<10000x64xbf16, #tpu.memory_space<vmem_shared>> -> memref<10000x64xbf16, #tpu.memory_space<vmem_shared>>
            tpu.wait_indirect_dma semaphore(%run_scoped3A : memref<!tpu.dma_semaphore, #tpu.memory_space<semaphore_mem>>) src(%arg11 : memref<125x64xbf16, #tpu.memory_space<vmem>>) dst(%dma_wait3A_168 : memref<10000x64xbf16, #tpu.memory_space<vmem_shared>>)
            tpu.yield
          }) : () -> ()
          %add3A_150 = arith.constant 2 : i32
          %add3A_151 = arith.addi %add3A_143, %add3A_150 : i32
          %lt3A_152 = arith.constant 80 : i32
          %lt3A_153 = arith.cmpi slt, %add3A_151, %lt3A_152 : i32
          %convert_element_type3A_154 = arith.extui %lt3A_153 : i1 to i32
          %cond3A_155 = arith.constant 0 : i32
          %cond3A_156 = arith.cmpi ne, %convert_element_type3A_154, %cond3A_155 : i32
          scf.if %cond3A_156 {
            %add3A_157 = arith.constant 2 : i32
            %add3A_158 = arith.addi %add3A_143, %add3A_157 : i32
            %dma_start3A_159 = arith.constant 0 : i32
            %dma_start3A_160 = tpu.memref_slice %arg8[%add3A_158, %dma_start3A_159] : memref<80x125xi32, #tpu.memory_space<vmem>> -> memref<1x125xi32, #tpu.memory_space<vmem>>
            %dma_start3A_161 = tpu.memref_squeeze %dma_start3A_160 : memref<1x125xi32, #tpu.memory_space<vmem>> -> memref<125xi32, #tpu.memory_space<vmem>>
            %dma_start3A_162 = arith.constant 0 : i32
            %dma_start3A_163 = arith.constant 0 : i32
            %dma_start3A_164 = tpu.memref_slice %arg4[%dma_start3A_162, %dma_start3A_163] : memref<10000x64xbf16, #tpu.memory_space<hbm>> -> memref<10000x64xbf16, #tpu.memory_space<hbm>>
            tpu.enqueue_indirect_dma source(%dma_start3A_164 : memref<10000x64xbf16, #tpu.memory_space<hbm>>) target(%arg11 : memref<125x64xbf16, #tpu.memory_space<vmem>>) offsets(%dma_start3A_161 : memref<125xi32, #tpu.memory_space<vmem>>) semaphore(%arg13 : memref<!tpu.dma_semaphore, #tpu.memory_space<semaphore_mem>>)
          } else {
          }
        }
        %scan3A_92 = arith.constant 20 : i32
      }
      %scan3A_70 = arith.constant 4 : i32
    } else {
    }
    %gt3A = arith.constant 0 : i32
    %gt3A_22 = arith.cmpi sgt, %arg0, %gt3A : i32
    %convert_element_type3A_23 = arith.extui %gt3A_22 : i1 to i32
    %cond3A_24 = arith.constant 0 : i32
    %cond3A_25 = arith.cmpi ne, %convert_element_type3A_23, %cond3A_24 : i32
    scf.if %cond3A_25 {
      %scan3A = arith.constant 0 : i32
      %scan3A_67 = arith.constant 4 : i32
      %scan3A_68 = arith.addi %scan3A, %scan3A_67 : i32
      %scan3A_69 = arith.constant 1 : i32
      scf.for %scan3A_71 = %scan3A to %scan3A_68 step %scan3A_69  : i32 {
        %mul3A_72 = arith.constant 1 : i32
        %mul3A_73 = arith.muli %scan3A_71, %mul3A_72 : i32
        %add3A = arith.constant 0 : i32
        %add3A_74 = arith.addi %add3A, %mul3A_73 : i32
        "tpu.region"() ({
          %run_scoped3A = tpu.sem_alloc : memref<!tpu.dma_semaphore, #tpu.memory_space<semaphore_mem>>
          %dma_start3A_93 = arith.constant 0 : i32
          %dma_start3A_94 = arith.constant 0 : i32
          %dma_start3A_95 = tpu.memref_slice %arg2[%arg1, %add3A_74, %dma_start3A_93, %dma_start3A_94] : memref<16x4x80x125xi32, #tpu.memory_space<hbm>> -> memref<1x1x80x125xi32, #tpu.memory_space<hbm>>
          %dma_start3A_96 = tpu.memref_squeeze %dma_start3A_95 : memref<1x1x80x125xi32, #tpu.memory_space<hbm>> -> memref<80x125xi32, #tpu.memory_space<hbm>>
          %dma_start3A_97 = arith.constant 0 : i32
          %dma_start3A_98 = arith.constant 0 : i32
          %dma_start3A_99 = tpu.memref_slice %arg2[%arg1, %add3A_74, %dma_start3A_97, %dma_start3A_98] : memref<16x4x80x125xi32, #tpu.memory_space<hbm>> -> memref<1x1x80x125xi32, #tpu.memory_space<hbm>>
          %dma_start3A_100 = tpu.memref_squeeze %dma_start3A_99 : memref<1x1x80x125xi32, #tpu.memory_space<hbm>> -> memref<80x125xi32, #tpu.memory_space<hbm>>
          tpu.enqueue_dma source(%dma_start3A_100 : memref<80x125xi32, #tpu.memory_space<hbm>>) target(%arg8 : memref<80x125xi32, #tpu.memory_space<vmem>>) target_semaphore(%run_scoped3A : memref<!tpu.dma_semaphore, #tpu.memory_space<semaphore_mem>>)
          %dma_wait3A = arith.constant 0 : i32
          %dma_wait3A_101 = arith.constant 0 : i32
          %dma_wait3A_102 = tpu.memref_slice %arg2[%arg1, %add3A_74, %dma_wait3A, %dma_wait3A_101] : memref<16x4x80x125xi32, #tpu.memory_space<hbm>> -> memref<1x1x80x125xi32, #tpu.memory_space<hbm>>
          %dma_wait3A_103 = tpu.memref_squeeze %dma_wait3A_102 : memref<1x1x80x125xi32, #tpu.memory_space<hbm>> -> memref<80x125xi32, #tpu.memory_space<hbm>>
          %dma_wait3A_104 = arith.constant 0 : i32
          %dma_wait3A_105 = arith.constant 0 : i32
          %dma_wait3A_106 = tpu.memref_slice %arg2[%arg1, %add3A_74, %dma_wait3A_104, %dma_wait3A_105] : memref<16x4x80x125xi32, #tpu.memory_space<hbm>> -> memref<1x1x80x125xi32, #tpu.memory_space<hbm>>
          %dma_wait3A_107 = tpu.memref_squeeze %dma_wait3A_106 : memref<1x1x80x125xi32, #tpu.memory_space<hbm>> -> memref<80x125xi32, #tpu.memory_space<hbm>>
          tpu.wait_dma2 semaphore(%run_scoped3A : memref<!tpu.dma_semaphore, #tpu.memory_space<semaphore_mem>>) src(%dma_wait3A_107 : memref<80x125xi32, #tpu.memory_space<hbm>>) dst(%arg8 : memref<80x125xi32, #tpu.memory_space<vmem>>)
          tpu.yield
        }) : () -> ()
        "tpu.region"() ({
          %run_scoped3A = tpu.sem_alloc : memref<!tpu.dma_semaphore, #tpu.memory_space<semaphore_mem>>
          %dma_start3A_93 = arith.constant 0 : i32
          %dma_start3A_94 = arith.constant 0 : i32
          %dma_start3A_95 = tpu.memref_slice %arg3[%arg1, %add3A_74, %dma_start3A_93, %dma_start3A_94] : memref<16x4x80x125xi32, #tpu.memory_space<hbm>> -> memref<1x1x80x125xi32, #tpu.memory_space<hbm>>
          %dma_start3A_96 = tpu.memref_squeeze %dma_start3A_95 : memref<1x1x80x125xi32, #tpu.memory_space<hbm>> -> memref<80x125xi32, #tpu.memory_space<hbm>>
          %dma_start3A_97 = arith.constant 0 : i32
          %dma_start3A_98 = arith.constant 0 : i32
          %dma_start3A_99 = tpu.memref_slice %arg3[%arg1, %add3A_74, %dma_start3A_97, %dma_start3A_98] : memref<16x4x80x125xi32, #tpu.memory_space<hbm>> -> memref<1x1x80x125xi32, #tpu.memory_space<hbm>>
          %dma_start3A_100 = tpu.memref_squeeze %dma_start3A_99 : memref<1x1x80x125xi32, #tpu.memory_space<hbm>> -> memref<80x125xi32, #tpu.memory_space<hbm>>
          tpu.enqueue_dma source(%dma_start3A_100 : memref<80x125xi32, #tpu.memory_space<hbm>>) target(%arg9 : memref<80x125xi32, #tpu.memory_space<vmem>>) target_semaphore(%run_scoped3A : memref<!tpu.dma_semaphore, #tpu.memory_space<semaphore_mem>>)
          %dma_wait3A = arith.constant 0 : i32
          %dma_wait3A_101 = arith.constant 0 : i32
          %dma_wait3A_102 = tpu.memref_slice %arg3[%arg1, %add3A_74, %dma_wait3A, %dma_wait3A_101] : memref<16x4x80x125xi32, #tpu.memory_space<hbm>> -> memref<1x1x80x125xi32, #tpu.memory_space<hbm>>
          %dma_wait3A_103 = tpu.memref_squeeze %dma_wait3A_102 : memref<1x1x80x125xi32, #tpu.memory_space<hbm>> -> memref<80x125xi32, #tpu.memory_space<hbm>>
          %dma_wait3A_104 = arith.constant 0 : i32
          %dma_wait3A_105 = arith.constant 0 : i32
          %dma_wait3A_106 = tpu.memref_slice %arg3[%arg1, %add3A_74, %dma_wait3A_104, %dma_wait3A_105] : memref<16x4x80x125xi32, #tpu.memory_space<hbm>> -> memref<1x1x80x125xi32, #tpu.memory_space<hbm>>
          %dma_wait3A_107 = tpu.memref_squeeze %dma_wait3A_106 : memref<1x1x80x125xi32, #tpu.memory_space<hbm>> -> memref<80x125xi32, #tpu.memory_space<hbm>>
          tpu.wait_dma2 semaphore(%run_scoped3A : memref<!tpu.dma_semaphore, #tpu.memory_space<semaphore_mem>>) src(%dma_wait3A_107 : memref<80x125xi32, #tpu.memory_space<hbm>>) dst(%arg9 : memref<80x125xi32, #tpu.memory_space<vmem>>)
          tpu.yield
        }) : () -> ()
        %dma_start3A = arith.constant 0 : i32
        %dma_start3A_75 = arith.constant 0 : i32
        %dma_start3A_76 = tpu.memref_slice %arg8[%dma_start3A, %dma_start3A_75] : memref<80x125xi32, #tpu.memory_space<vmem>> -> memref<1x125xi32, #tpu.memory_space<vmem>>
        %dma_start3A_77 = tpu.memref_squeeze %dma_start3A_76 : memref<1x125xi32, #tpu.memory_space<vmem>> -> memref<125xi32, #tpu.memory_space<vmem>>
        %dma_start3A_78 = arith.constant 0 : i32
        %dma_start3A_79 = arith.constant 0 : i32
        %dma_start3A_80 = tpu.memref_slice %arg5[%dma_start3A_78, %dma_start3A_79] : memref<10000x64xbf16, #tpu.memory_space<hbm>> -> memref<10000x64xbf16, #tpu.memory_space<hbm>>
        tpu.enqueue_indirect_dma source(%dma_start3A_80 : memref<10000x64xbf16, #tpu.memory_space<hbm>>) target(%arg10 : memref<125x64xbf16, #tpu.memory_space<vmem>>) offsets(%dma_start3A_77 : memref<125xi32, #tpu.memory_space<vmem>>) semaphore(%arg12 : memref<!tpu.dma_semaphore, #tpu.memory_space<semaphore_mem>>)
        %dma_start3A_81 = arith.constant 1 : i32
        %dma_start3A_82 = arith.constant 0 : i32
        %dma_start3A_83 = tpu.memref_slice %arg8[%dma_start3A_81, %dma_start3A_82] : memref<80x125xi32, #tpu.memory_space<vmem>> -> memref<1x125xi32, #tpu.memory_space<vmem>>
        %dma_start3A_84 = tpu.memref_squeeze %dma_start3A_83 : memref<1x125xi32, #tpu.memory_space<vmem>> -> memref<125xi32, #tpu.memory_space<vmem>>
        %dma_start3A_85 = arith.constant 0 : i32
        %dma_start3A_86 = arith.constant 0 : i32
        %dma_start3A_87 = tpu.memref_slice %arg5[%dma_start3A_85, %dma_start3A_86] : memref<10000x64xbf16, #tpu.memory_space<hbm>> -> memref<10000x64xbf16, #tpu.memory_space<hbm>>
        tpu.enqueue_indirect_dma source(%dma_start3A_87 : memref<10000x64xbf16, #tpu.memory_space<hbm>>) target(%arg11 : memref<125x64xbf16, #tpu.memory_space<vmem>>) offsets(%dma_start3A_84 : memref<125xi32, #tpu.memory_space<vmem>>) semaphore(%arg13 : memref<!tpu.dma_semaphore, #tpu.memory_space<semaphore_mem>>)
        %scan3A_88 = arith.constant 0 : i32
        %scan3A_89 = arith.constant 20 : i32
        %scan3A_90 = arith.addi %scan3A_88, %scan3A_89 : i32
        %scan3A_91 = arith.constant 1 : i32
        scf.for %scan3A_93 = %scan3A_88 to %scan3A_90 step %scan3A_91  : i32 {
          %mul3A_94 = arith.constant 4 : i32
          %mul3A_95 = arith.muli %scan3A_93, %mul3A_94 : i32
          %add3A_96 = arith.constant 0 : i32
          %add3A_97 = arith.addi %add3A_96, %mul3A_95 : i32
          %add3A_98 = arith.constant 0 : i32
          %add3A_99 = arith.addi %add3A_97, %add3A_98 : i32
          %dma_wait3A = arith.constant 0 : i32
          %dma_wait3A_100 = tpu.memref_slice %arg8[%add3A_99, %dma_wait3A] : memref<80x125xi32, #tpu.memory_space<vmem>> -> memref<1x125xi32, #tpu.memory_space<vmem>>
          %dma_wait3A_101 = tpu.memref_squeeze %dma_wait3A_100 : memref<1x125xi32, #tpu.memory_space<vmem>> -> memref<125xi32, #tpu.memory_space<vmem>>
          %dma_wait3A_102 = arith.constant 0 : i32
          %dma_wait3A_103 = arith.constant 0 : i32
          %dma_wait3A_104 = tpu.memref_slice %arg5[%dma_wait3A_102, %dma_wait3A_103] : memref<10000x64xbf16, #tpu.memory_space<hbm>> -> memref<10000x64xbf16, #tpu.memory_space<hbm>>
          tpu.wait_indirect_dma semaphore(%arg12 : memref<!tpu.dma_semaphore, #tpu.memory_space<semaphore_mem>>) src(%dma_wait3A_104 : memref<10000x64xbf16, #tpu.memory_space<hbm>>) dst(%arg10 : memref<125x64xbf16, #tpu.memory_space<vmem>>)
          "tpu.region"() ({
            %run_scoped3A = tpu.sem_alloc : memref<!tpu.dma_semaphore, #tpu.memory_space<semaphore_mem>>
            %dma_start3A_157 = arith.constant 0 : i32
            %dma_start3A_158 = tpu.memref_slice %arg9[%add3A_99, %dma_start3A_157] : memref<80x125xi32, #tpu.memory_space<vmem>> -> memref<1x125xi32, #tpu.memory_space<vmem>>
            %dma_start3A_159 = tpu.memref_squeeze %dma_start3A_158 : memref<1x125xi32, #tpu.memory_space<vmem>> -> memref<125xi32, #tpu.memory_space<vmem>>
            %dma_start3A_160 = arith.constant 0 : i32
            %dma_start3A_161 = arith.constant 0 : i32
            %dma_start3A_162 = tpu.memref_slice %arg14[%dma_start3A_160, %dma_start3A_161] : memref<10000x64xbf16, #tpu.memory_space<vmem_shared>> -> memref<10000x64xbf16, #tpu.memory_space<vmem_shared>>
            tpu.enqueue_indirect_dma source(%arg10 : memref<125x64xbf16, #tpu.memory_space<vmem>>) target(%dma_start3A_162 : memref<10000x64xbf16, #tpu.memory_space<vmem_shared>>) offsets(%dma_start3A_159 : memref<125xi32, #tpu.memory_space<vmem>>) semaphore(%run_scoped3A : memref<!tpu.dma_semaphore, #tpu.memory_space<semaphore_mem>>) {add = true}
            %dma_wait3A_163 = arith.constant 0 : i32
            %dma_wait3A_164 = tpu.memref_slice %arg9[%add3A_99, %dma_wait3A_163] : memref<80x125xi32, #tpu.memory_space<vmem>> -> memref<1x125xi32, #tpu.memory_space<vmem>>
            %dma_wait3A_165 = tpu.memref_squeeze %dma_wait3A_164 : memref<1x125xi32, #tpu.memory_space<vmem>> -> memref<125xi32, #tpu.memory_space<vmem>>
            %dma_wait3A_166 = arith.constant 0 : i32
            %dma_wait3A_167 = arith.constant 0 : i32
            %dma_wait3A_168 = tpu.memref_slice %arg14[%dma_wait3A_166, %dma_wait3A_167] : memref<10000x64xbf16, #tpu.memory_space<vmem_shared>> -> memref<10000x64xbf16, #tpu.memory_space<vmem_shared>>
            tpu.wait_indirect_dma semaphore(%run_scoped3A : memref<!tpu.dma_semaphore, #tpu.memory_space<semaphore_mem>>) src(%arg10 : memref<125x64xbf16, #tpu.memory_space<vmem>>) dst(%dma_wait3A_168 : memref<10000x64xbf16, #tpu.memory_space<vmem_shared>>)
            tpu.yield
          }) : () -> ()
          %add3A_105 = arith.constant 2 : i32
          %add3A_106 = arith.addi %add3A_99, %add3A_105 : i32
          %lt3A_107 = arith.constant 80 : i32
          %lt3A_108 = arith.cmpi slt, %add3A_106, %lt3A_107 : i32
          %convert_element_type3A_109 = arith.extui %lt3A_108 : i1 to i32
          %cond3A_110 = arith.constant 0 : i32
          %cond3A_111 = arith.cmpi ne, %convert_element_type3A_109, %cond3A_110 : i32
          scf.if %cond3A_111 {
            %add3A_157 = arith.constant 2 : i32
            %add3A_158 = arith.addi %add3A_99, %add3A_157 : i32
            %dma_start3A_159 = arith.constant 0 : i32
            %dma_start3A_160 = tpu.memref_slice %arg8[%add3A_158, %dma_start3A_159] : memref<80x125xi32, #tpu.memory_space<vmem>> -> memref<1x125xi32, #tpu.memory_space<vmem>>
            %dma_start3A_161 = tpu.memref_squeeze %dma_start3A_160 : memref<1x125xi32, #tpu.memory_space<vmem>> -> memref<125xi32, #tpu.memory_space<vmem>>
            %dma_start3A_162 = arith.constant 0 : i32
            %dma_start3A_163 = arith.constant 0 : i32
            %dma_start3A_164 = tpu.memref_slice %arg5[%dma_start3A_162, %dma_start3A_163] : memref<10000x64xbf16, #tpu.memory_space<hbm>> -> memref<10000x64xbf16, #tpu.memory_space<hbm>>
            tpu.enqueue_indirect_dma source(%dma_start3A_164 : memref<10000x64xbf16, #tpu.memory_space<hbm>>) target(%arg10 : memref<125x64xbf16, #tpu.memory_space<vmem>>) offsets(%dma_start3A_161 : memref<125xi32, #tpu.memory_space<vmem>>) semaphore(%arg12 : memref<!tpu.dma_semaphore, #tpu.memory_space<semaphore_mem>>)
          } else {
          }
          %add3A_112 = arith.constant 1 : i32
          %add3A_113 = arith.addi %add3A_97, %add3A_112 : i32
          %dma_wait3A_114 = arith.constant 0 : i32
          %dma_wait3A_115 = tpu.memref_slice %arg8[%add3A_113, %dma_wait3A_114] : memref<80x125xi32, #tpu.memory_space<vmem>> -> memref<1x125xi32, #tpu.memory_space<vmem>>
          %dma_wait3A_116 = tpu.memref_squeeze %dma_wait3A_115 : memref<1x125xi32, #tpu.memory_space<vmem>> -> memref<125xi32, #tpu.memory_space<vmem>>
          %dma_wait3A_117 = arith.constant 0 : i32
          %dma_wait3A_118 = arith.constant 0 : i32
          %dma_wait3A_119 = tpu.memref_slice %arg5[%dma_wait3A_117, %dma_wait3A_118] : memref<10000x64xbf16, #tpu.memory_space<hbm>> -> memref<10000x64xbf16, #tpu.memory_space<hbm>>
          tpu.wait_indirect_dma semaphore(%arg13 : memref<!tpu.dma_semaphore, #tpu.memory_space<semaphore_mem>>) src(%dma_wait3A_119 : memref<10000x64xbf16, #tpu.memory_space<hbm>>) dst(%arg11 : memref<125x64xbf16, #tpu.memory_space<vmem>>)
          "tpu.region"() ({
            %run_scoped3A = tpu.sem_alloc : memref<!tpu.dma_semaphore, #tpu.memory_space<semaphore_mem>>
            %dma_start3A_157 = arith.constant 0 : i32
            %dma_start3A_158 = tpu.memref_slice %arg9[%add3A_113, %dma_start3A_157] : memref<80x125xi32, #tpu.memory_space<vmem>> -> memref<1x125xi32, #tpu.memory_space<vmem>>
            %dma_start3A_159 = tpu.memref_squeeze %dma_start3A_158 : memref<1x125xi32, #tpu.memory_space<vmem>> -> memref<125xi32, #tpu.memory_space<vmem>>
            %dma_start3A_160 = arith.constant 0 : i32
            %dma_start3A_161 = arith.constant 0 : i32
            %dma_start3A_162 = tpu.memref_slice %arg15[%dma_start3A_160, %dma_start3A_161] : memref<10000x64xbf16, #tpu.memory_space<vmem_shared>> -> memref<10000x64xbf16, #tpu.memory_space<vmem_shared>>
            tpu.enqueue_indirect_dma source(%arg11 : memref<125x64xbf16, #tpu.memory_space<vmem>>) target(%dma_start3A_162 : memref<10000x64xbf16, #tpu.memory_space<vmem_shared>>) offsets(%dma_start3A_159 : memref<125xi32, #tpu.memory_space<vmem>>) semaphore(%run_scoped3A : memref<!tpu.dma_semaphore, #tpu.memory_space<semaphore_mem>>) {add = true}
            %dma_wait3A_163 = arith.constant 0 : i32
            %dma_wait3A_164 = tpu.memref_slice %arg9[%add3A_113, %dma_wait3A_163] : memref<80x125xi32, #tpu.memory_space<vmem>> -> memref<1x125xi32, #tpu.memory_space<vmem>>
            %dma_wait3A_165 = tpu.memref_squeeze %dma_wait3A_164 : memref<1x125xi32, #tpu.memory_space<vmem>> -> memref<125xi32, #tpu.memory_space<vmem>>
            %dma_wait3A_166 = arith.constant 0 : i32
            %dma_wait3A_167 = arith.constant 0 : i32
            %dma_wait3A_168 = tpu.memref_slice %arg15[%dma_wait3A_166, %dma_wait3A_167] : memref<10000x64xbf16, #tpu.memory_space<vmem_shared>> -> memref<10000x64xbf16, #tpu.memory_space<vmem_shared>>
            tpu.wait_indirect_dma semaphore(%run_scoped3A : memref<!tpu.dma_semaphore, #tpu.memory_space<semaphore_mem>>) src(%arg11 : memref<125x64xbf16, #tpu.memory_space<vmem>>) dst(%dma_wait3A_168 : memref<10000x64xbf16, #tpu.memory_space<vmem_shared>>)
            tpu.yield
          }) : () -> ()
          %add3A_120 = arith.constant 2 : i32
          %add3A_121 = arith.addi %add3A_113, %add3A_120 : i32
          %lt3A_122 = arith.constant 80 : i32
          %lt3A_123 = arith.cmpi slt, %add3A_121, %lt3A_122 : i32
          %convert_element_type3A_124 = arith.extui %lt3A_123 : i1 to i32
          %cond3A_125 = arith.constant 0 : i32
          %cond3A_126 = arith.cmpi ne, %convert_element_type3A_124, %cond3A_125 : i32
          scf.if %cond3A_126 {
            %add3A_157 = arith.constant 2 : i32
            %add3A_158 = arith.addi %add3A_113, %add3A_157 : i32
            %dma_start3A_159 = arith.constant 0 : i32
            %dma_start3A_160 = tpu.memref_slice %arg8[%add3A_158, %dma_start3A_159] : memref<80x125xi32, #tpu.memory_space<vmem>> -> memref<1x125xi32, #tpu.memory_space<vmem>>
            %dma_start3A_161 = tpu.memref_squeeze %dma_start3A_160 : memref<1x125xi32, #tpu.memory_space<vmem>> -> memref<125xi32, #tpu.memory_space<vmem>>
            %dma_start3A_162 = arith.constant 0 : i32
            %dma_start3A_163 = arith.constant 0 : i32
            %dma_start3A_164 = tpu.memref_slice %arg5[%dma_start3A_162, %dma_start3A_163] : memref<10000x64xbf16, #tpu.memory_space<hbm>> -> memref<10000x64xbf16, #tpu.memory_space<hbm>>
            tpu.enqueue_indirect_dma source(%dma_start3A_164 : memref<10000x64xbf16, #tpu.memory_space<hbm>>) target(%arg11 : memref<125x64xbf16, #tpu.memory_space<vmem>>) offsets(%dma_start3A_161 : memref<125xi32, #tpu.memory_space<vmem>>) semaphore(%arg13 : memref<!tpu.dma_semaphore, #tpu.memory_space<semaphore_mem>>)
          } else {
          }
          %add3A_127 = arith.constant 2 : i32
          %add3A_128 = arith.addi %add3A_97, %add3A_127 : i32
          %dma_wait3A_129 = arith.constant 0 : i32
          %dma_wait3A_130 = tpu.memref_slice %arg8[%add3A_128, %dma_wait3A_129] : memref<80x125xi32, #tpu.memory_space<vmem>> -> memref<1x125xi32, #tpu.memory_space<vmem>>
          %dma_wait3A_131 = tpu.memref_squeeze %dma_wait3A_130 : memref<1x125xi32, #tpu.memory_space<vmem>> -> memref<125xi32, #tpu.memory_space<vmem>>
          %dma_wait3A_132 = arith.constant 0 : i32
          %dma_wait3A_133 = arith.constant 0 : i32
          %dma_wait3A_134 = tpu.memref_slice %arg5[%dma_wait3A_132, %dma_wait3A_133] : memref<10000x64xbf16, #tpu.memory_space<hbm>> -> memref<10000x64xbf16, #tpu.memory_space<hbm>>
          tpu.wait_indirect_dma semaphore(%arg12 : memref<!tpu.dma_semaphore, #tpu.memory_space<semaphore_mem>>) src(%dma_wait3A_134 : memref<10000x64xbf16, #tpu.memory_space<hbm>>) dst(%arg10 : memref<125x64xbf16, #tpu.memory_space<vmem>>)
          "tpu.region"() ({
            %run_scoped3A = tpu.sem_alloc : memref<!tpu.dma_semaphore, #tpu.memory_space<semaphore_mem>>
            %dma_start3A_157 = arith.constant 0 : i32
            %dma_start3A_158 = tpu.memref_slice %arg9[%add3A_128, %dma_start3A_157] : memref<80x125xi32, #tpu.memory_space<vmem>> -> memref<1x125xi32, #tpu.memory_space<vmem>>
            %dma_start3A_159 = tpu.memref_squeeze %dma_start3A_158 : memref<1x125xi32, #tpu.memory_space<vmem>> -> memref<125xi32, #tpu.memory_space<vmem>>
            %dma_start3A_160 = arith.constant 0 : i32
            %dma_start3A_161 = arith.constant 0 : i32
            %dma_start3A_162 = tpu.memref_slice %arg16[%dma_start3A_160, %dma_start3A_161] : memref<10000x64xbf16, #tpu.memory_space<vmem_shared>> -> memref<10000x64xbf16, #tpu.memory_space<vmem_shared>>
            tpu.enqueue_indirect_dma source(%arg10 : memref<125x64xbf16, #tpu.memory_space<vmem>>) target(%dma_start3A_162 : memref<10000x64xbf16, #tpu.memory_space<vmem_shared>>) offsets(%dma_start3A_159 : memref<125xi32, #tpu.memory_space<vmem>>) semaphore(%run_scoped3A : memref<!tpu.dma_semaphore, #tpu.memory_space<semaphore_mem>>) {add = true}
            %dma_wait3A_163 = arith.constant 0 : i32
            %dma_wait3A_164 = tpu.memref_slice %arg9[%add3A_128, %dma_wait3A_163] : memref<80x125xi32, #tpu.memory_space<vmem>> -> memref<1x125xi32, #tpu.memory_space<vmem>>
            %dma_wait3A_165 = tpu.memref_squeeze %dma_wait3A_164 : memref<1x125xi32, #tpu.memory_space<vmem>> -> memref<125xi32, #tpu.memory_space<vmem>>
            %dma_wait3A_166 = arith.constant 0 : i32
            %dma_wait3A_167 = arith.constant 0 : i32
            %dma_wait3A_168 = tpu.memref_slice %arg16[%dma_wait3A_166, %dma_wait3A_167] : memref<10000x64xbf16, #tpu.memory_space<vmem_shared>> -> memref<10000x64xbf16, #tpu.memory_space<vmem_shared>>
            tpu.wait_indirect_dma semaphore(%run_scoped3A : memref<!tpu.dma_semaphore, #tpu.memory_space<semaphore_mem>>) src(%arg10 : memref<125x64xbf16, #tpu.memory_space<vmem>>) dst(%dma_wait3A_168 : memref<10000x64xbf16, #tpu.memory_space<vmem_shared>>)
            tpu.yield
          }) : () -> ()
          %add3A_135 = arith.constant 2 : i32
          %add3A_136 = arith.addi %add3A_128, %add3A_135 : i32
          %lt3A_137 = arith.constant 80 : i32
          %lt3A_138 = arith.cmpi slt, %add3A_136, %lt3A_137 : i32
          %convert_element_type3A_139 = arith.extui %lt3A_138 : i1 to i32
          %cond3A_140 = arith.constant 0 : i32
          %cond3A_141 = arith.cmpi ne, %convert_element_type3A_139, %cond3A_140 : i32
          scf.if %cond3A_141 {
            %add3A_157 = arith.constant 2 : i32
            %add3A_158 = arith.addi %add3A_128, %add3A_157 : i32
            %dma_start3A_159 = arith.constant 0 : i32
            %dma_start3A_160 = tpu.memref_slice %arg8[%add3A_158, %dma_start3A_159] : memref<80x125xi32, #tpu.memory_space<vmem>> -> memref<1x125xi32, #tpu.memory_space<vmem>>
            %dma_start3A_161 = tpu.memref_squeeze %dma_start3A_160 : memref<1x125xi32, #tpu.memory_space<vmem>> -> memref<125xi32, #tpu.memory_space<vmem>>
            %dma_start3A_162 = arith.constant 0 : i32
            %dma_start3A_163 = arith.constant 0 : i32
            %dma_start3A_164 = tpu.memref_slice %arg5[%dma_start3A_162, %dma_start3A_163] : memref<10000x64xbf16, #tpu.memory_space<hbm>> -> memref<10000x64xbf16, #tpu.memory_space<hbm>>
            tpu.enqueue_indirect_dma source(%dma_start3A_164 : memref<10000x64xbf16, #tpu.memory_space<hbm>>) target(%arg10 : memref<125x64xbf16, #tpu.memory_space<vmem>>) offsets(%dma_start3A_161 : memref<125xi32, #tpu.memory_space<vmem>>) semaphore(%arg12 : memref<!tpu.dma_semaphore, #tpu.memory_space<semaphore_mem>>)
          } else {
          }
          %add3A_142 = arith.constant 3 : i32
          %add3A_143 = arith.addi %add3A_97, %add3A_142 : i32
          %dma_wait3A_144 = arith.constant 0 : i32
          %dma_wait3A_145 = tpu.memref_slice %arg8[%add3A_143, %dma_wait3A_144] : memref<80x125xi32, #tpu.memory_space<vmem>> -> memref<1x125xi32, #tpu.memory_space<vmem>>
          %dma_wait3A_146 = tpu.memref_squeeze %dma_wait3A_145 : memref<1x125xi32, #tpu.memory_space<vmem>> -> memref<125xi32, #tpu.memory_space<vmem>>
          %dma_wait3A_147 = arith.constant 0 : i32
          %dma_wait3A_148 = arith.constant 0 : i32
          %dma_wait3A_149 = tpu.memref_slice %arg5[%dma_wait3A_147, %dma_wait3A_148] : memref<10000x64xbf16, #tpu.memory_space<hbm>> -> memref<10000x64xbf16, #tpu.memory_space<hbm>>
          tpu.wait_indirect_dma semaphore(%arg13 : memref<!tpu.dma_semaphore, #tpu.memory_space<semaphore_mem>>) src(%dma_wait3A_149 : memref<10000x64xbf16, #tpu.memory_space<hbm>>) dst(%arg11 : memref<125x64xbf16, #tpu.memory_space<vmem>>)
          "tpu.region"() ({
            %run_scoped3A = tpu.sem_alloc : memref<!tpu.dma_semaphore, #tpu.memory_space<semaphore_mem>>
            %dma_start3A_157 = arith.constant 0 : i32
            %dma_start3A_158 = tpu.memref_slice %arg9[%add3A_143, %dma_start3A_157] : memref<80x125xi32, #tpu.memory_space<vmem>> -> memref<1x125xi32, #tpu.memory_space<vmem>>
            %dma_start3A_159 = tpu.memref_squeeze %dma_start3A_158 : memref<1x125xi32, #tpu.memory_space<vmem>> -> memref<125xi32, #tpu.memory_space<vmem>>
            %dma_start3A_160 = arith.constant 0 : i32
            %dma_start3A_161 = arith.constant 0 : i32
            %dma_start3A_162 = tpu.memref_slice %arg17[%dma_start3A_160, %dma_start3A_161] : memref<10000x64xbf16, #tpu.memory_space<vmem_shared>> -> memref<10000x64xbf16, #tpu.memory_space<vmem_shared>>
            tpu.enqueue_indirect_dma source(%arg11 : memref<125x64xbf16, #tpu.memory_space<vmem>>) target(%dma_start3A_162 : memref<10000x64xbf16, #tpu.memory_space<vmem_shared>>) offsets(%dma_start3A_159 : memref<125xi32, #tpu.memory_space<vmem>>) semaphore(%run_scoped3A : memref<!tpu.dma_semaphore, #tpu.memory_space<semaphore_mem>>) {add = true}
            %dma_wait3A_163 = arith.constant 0 : i32
            %dma_wait3A_164 = tpu.memref_slice %arg9[%add3A_143, %dma_wait3A_163] : memref<80x125xi32, #tpu.memory_space<vmem>> -> memref<1x125xi32, #tpu.memory_space<vmem>>
            %dma_wait3A_165 = tpu.memref_squeeze %dma_wait3A_164 : memref<1x125xi32, #tpu.memory_space<vmem>> -> memref<125xi32, #tpu.memory_space<vmem>>
            %dma_wait3A_166 = arith.constant 0 : i32
            %dma_wait3A_167 = arith.constant 0 : i32
            %dma_wait3A_168 = tpu.memref_slice %arg17[%dma_wait3A_166, %dma_wait3A_167] : memref<10000x64xbf16, #tpu.memory_space<vmem_shared>> -> memref<10000x64xbf16, #tpu.memory_space<vmem_shared>>
            tpu.wait_indirect_dma semaphore(%run_scoped3A : memref<!tpu.dma_semaphore, #tpu.memory_space<semaphore_mem>>) src(%arg11 : memref<125x64xbf16, #tpu.memory_space<vmem>>) dst(%dma_wait3A_168 : memref<10000x64xbf16, #tpu.memory_space<vmem_shared>>)
            tpu.yield
          }) : () -> ()
          %add3A_150 = arith.constant 2 : i32
          %add3A_151 = arith.addi %add3A_143, %add3A_150 : i32
          %lt3A_152 = arith.constant 80 : i32
          %lt3A_153 = arith.cmpi slt, %add3A_151, %lt3A_152 : i32
          %convert_element_type3A_154 = arith.extui %lt3A_153 : i1 to i32
          %cond3A_155 = arith.constant 0 : i32
          %cond3A_156 = arith.cmpi ne, %convert_element_type3A_154, %cond3A_155 : i32
          scf.if %cond3A_156 {
            %add3A_157 = arith.constant 2 : i32
            %add3A_158 = arith.addi %add3A_143, %add3A_157 : i32
            %dma_start3A_159 = arith.constant 0 : i32
            %dma_start3A_160 = tpu.memref_slice %arg8[%add3A_158, %dma_start3A_159] : memref<80x125xi32, #tpu.memory_space<vmem>> -> memref<1x125xi32, #tpu.memory_space<vmem>>
            %dma_start3A_161 = tpu.memref_squeeze %dma_start3A_160 : memref<1x125xi32, #tpu.memory_space<vmem>> -> memref<125xi32, #tpu.memory_space<vmem>>
            %dma_start3A_162 = arith.constant 0 : i32
            %dma_start3A_163 = arith.constant 0 : i32
            %dma_start3A_164 = tpu.memref_slice %arg5[%dma_start3A_162, %dma_start3A_163] : memref<10000x64xbf16, #tpu.memory_space<hbm>> -> memref<10000x64xbf16, #tpu.memory_space<hbm>>
            tpu.enqueue_indirect_dma source(%dma_start3A_164 : memref<10000x64xbf16, #tpu.memory_space<hbm>>) target(%arg11 : memref<125x64xbf16, #tpu.memory_space<vmem>>) offsets(%dma_start3A_161 : memref<125xi32, #tpu.memory_space<vmem>>) semaphore(%arg13 : memref<!tpu.dma_semaphore, #tpu.memory_space<semaphore_mem>>)
          } else {
          }
        }
        %scan3A_92 = arith.constant 20 : i32
      }
      %scan3A_70 = arith.constant 4 : i32
    } else {
    }
    %barrier3A_26 = arith.constant 0 : index
    tpu.barrier barrier_id(%barrier3A_26)
    %mul3A = arith.constant 624 : i32
    %mul3A_27 = arith.muli %arg1, %mul3A : i32
    %multiple_of3A = tpu.assume_multiple %mul3A_27, 8 : i32
    %lt3A = arith.constant 15 : i32
    %lt3A_28 = arith.cmpi slt, %arg1, %lt3A : i32
    %convert_element_type3A_29 = arith.extui %lt3A_28 : i1 to i32
    %cond3A_30 = arith.constant 0 : i32
    %cond3A_31 = arith.cmpi ne, %convert_element_type3A_29, %cond3A_30 : i32
    scf.if %cond3A_31 {
      %run_scoped3A = arith.constant 0 : i32
      "tpu.region"() ({
        %run_scoped3A_67 = tpu.sem_alloc : memref<!tpu.dma_semaphore, #tpu.memory_space<semaphore_mem>>
        %dma_start3A = arith.constant 0 : i32
        %dma_start3A_68 = tpu.memref_slice %arg7[%arg0, %run_scoped3A, %multiple_of3A, %dma_start3A] : memref<2x4x10000x64xbf16, #tpu.memory_space<hbm>> -> memref<1x1x624x64xbf16, #tpu.memory_space<hbm>>
        %dma_start3A_69 = tpu.memref_squeeze %dma_start3A_68 : memref<1x1x624x64xbf16, #tpu.memory_space<hbm>> -> memref<624x64xbf16, #tpu.memory_space<hbm>>
        %dma_start3A_70 = arith.constant 0 : i32
        %dma_start3A_71 = tpu.memref_slice %arg14[%multiple_of3A, %dma_start3A_70] : memref<10000x64xbf16, #tpu.memory_space<vmem_shared>> -> memref<624x64xbf16, #tpu.memory_space<vmem_shared>>
        tpu.enqueue_dma source(%dma_start3A_71 : memref<624x64xbf16, #tpu.memory_space<vmem_shared>>) target(%dma_start3A_69 : memref<624x64xbf16, #tpu.memory_space<hbm>>) target_semaphore(%run_scoped3A_67 : memref<!tpu.dma_semaphore, #tpu.memory_space<semaphore_mem>>)
        %dma_wait3A = arith.constant 0 : i32
        %dma_wait3A_72 = tpu.memref_slice %arg7[%arg0, %run_scoped3A, %multiple_of3A, %dma_wait3A] : memref<2x4x10000x64xbf16, #tpu.memory_space<hbm>> -> memref<1x1x624x64xbf16, #tpu.memory_space<hbm>>
        %dma_wait3A_73 = tpu.memref_squeeze %dma_wait3A_72 : memref<1x1x624x64xbf16, #tpu.memory_space<hbm>> -> memref<624x64xbf16, #tpu.memory_space<hbm>>
        %dma_wait3A_74 = arith.constant 0 : i32
        %dma_wait3A_75 = tpu.memref_slice %arg14[%multiple_of3A, %dma_wait3A_74] : memref<10000x64xbf16, #tpu.memory_space<vmem_shared>> -> memref<624x64xbf16, #tpu.memory_space<vmem_shared>>
        tpu.wait_dma2 semaphore(%run_scoped3A_67 : memref<!tpu.dma_semaphore, #tpu.memory_space<semaphore_mem>>) src(%dma_wait3A_75 : memref<624x64xbf16, #tpu.memory_space<vmem_shared>>) dst(%dma_wait3A_73 : memref<624x64xbf16, #tpu.memory_space<hbm>>)
        tpu.yield
      }) : () -> ()
    } else {
    }
    %eq3A_32 = arith.constant 15 : i32
    %eq3A_33 = arith.cmpi eq, %arg1, %eq3A_32 : i32
    %convert_element_type3A_34 = arith.extui %eq3A_33 : i1 to i32
    %cond3A_35 = arith.constant 0 : i32
    %cond3A_36 = arith.cmpi ne, %convert_element_type3A_34, %cond3A_35 : i32
    scf.if %cond3A_36 {
      %run_scoped3A = arith.constant 0 : i32
      "tpu.region"() ({
        %run_scoped3A_67 = tpu.sem_alloc : memref<!tpu.dma_semaphore, #tpu.memory_space<semaphore_mem>>
        %dma_start3A = arith.constant 9360 : i32
        %dma_start3A_68 = arith.constant 0 : i32
        %dma_start3A_69 = tpu.memref_slice %arg7[%arg0, %run_scoped3A, %dma_start3A, %dma_start3A_68] : memref<2x4x10000x64xbf16, #tpu.memory_space<hbm>> -> memref<1x1x640x64xbf16, #tpu.memory_space<hbm>>
        %dma_start3A_70 = tpu.memref_squeeze %dma_start3A_69 : memref<1x1x640x64xbf16, #tpu.memory_space<hbm>> -> memref<640x64xbf16, #tpu.memory_space<hbm>>
        %dma_start3A_71 = arith.constant 9360 : i32
        %dma_start3A_72 = arith.constant 0 : i32
        %dma_start3A_73 = tpu.memref_slice %arg14[%dma_start3A_71, %dma_start3A_72] : memref<10000x64xbf16, #tpu.memory_space<vmem_shared>> -> memref<640x64xbf16, #tpu.memory_space<vmem_shared>>
        tpu.enqueue_dma source(%dma_start3A_73 : memref<640x64xbf16, #tpu.memory_space<vmem_shared>>) target(%dma_start3A_70 : memref<640x64xbf16, #tpu.memory_space<hbm>>) target_semaphore(%run_scoped3A_67 : memref<!tpu.dma_semaphore, #tpu.memory_space<semaphore_mem>>)
        %dma_wait3A = arith.constant 9360 : i32
        %dma_wait3A_74 = arith.constant 0 : i32
        %dma_wait3A_75 = tpu.memref_slice %arg7[%arg0, %run_scoped3A, %dma_wait3A, %dma_wait3A_74] : memref<2x4x10000x64xbf16, #tpu.memory_space<hbm>> -> memref<1x1x640x64xbf16, #tpu.memory_space<hbm>>
        %dma_wait3A_76 = tpu.memref_squeeze %dma_wait3A_75 : memref<1x1x640x64xbf16, #tpu.memory_space<hbm>> -> memref<640x64xbf16, #tpu.memory_space<hbm>>
        %dma_wait3A_77 = arith.constant 9360 : i32
        %dma_wait3A_78 = arith.constant 0 : i32
        %dma_wait3A_79 = tpu.memref_slice %arg14[%dma_wait3A_77, %dma_wait3A_78] : memref<10000x64xbf16, #tpu.memory_space<vmem_shared>> -> memref<640x64xbf16, #tpu.memory_space<vmem_shared>>
        tpu.wait_dma2 semaphore(%run_scoped3A_67 : memref<!tpu.dma_semaphore, #tpu.memory_space<semaphore_mem>>) src(%dma_wait3A_79 : memref<640x64xbf16, #tpu.memory_space<vmem_shared>>) dst(%dma_wait3A_76 : memref<640x64xbf16, #tpu.memory_space<hbm>>)
        tpu.yield
      }) : () -> ()
    } else {
    }
    %lt3A_37 = arith.constant 15 : i32
    %lt3A_38 = arith.cmpi slt, %arg1, %lt3A_37 : i32
    %convert_element_type3A_39 = arith.extui %lt3A_38 : i1 to i32
    %cond3A_40 = arith.constant 0 : i32
    %cond3A_41 = arith.cmpi ne, %convert_element_type3A_39, %cond3A_40 : i32
    scf.if %cond3A_41 {
      %run_scoped3A = arith.constant 1 : i32
      "tpu.region"() ({
        %run_scoped3A_67 = tpu.sem_alloc : memref<!tpu.dma_semaphore, #tpu.memory_space<semaphore_mem>>
        %dma_start3A = arith.constant 0 : i32
        %dma_start3A_68 = tpu.memref_slice %arg7[%arg0, %run_scoped3A, %multiple_of3A, %dma_start3A] : memref<2x4x10000x64xbf16, #tpu.memory_space<hbm>> -> memref<1x1x624x64xbf16, #tpu.memory_space<hbm>>
        %dma_start3A_69 = tpu.memref_squeeze %dma_start3A_68 : memref<1x1x624x64xbf16, #tpu.memory_space<hbm>> -> memref<624x64xbf16, #tpu.memory_space<hbm>>
        %dma_start3A_70 = arith.constant 0 : i32
        %dma_start3A_71 = tpu.memref_slice %arg15[%multiple_of3A, %dma_start3A_70] : memref<10000x64xbf16, #tpu.memory_space<vmem_shared>> -> memref<624x64xbf16, #tpu.memory_space<vmem_shared>>
        tpu.enqueue_dma source(%dma_start3A_71 : memref<624x64xbf16, #tpu.memory_space<vmem_shared>>) target(%dma_start3A_69 : memref<624x64xbf16, #tpu.memory_space<hbm>>) target_semaphore(%run_scoped3A_67 : memref<!tpu.dma_semaphore, #tpu.memory_space<semaphore_mem>>)
        %dma_wait3A = arith.constant 0 : i32
        %dma_wait3A_72 = tpu.memref_slice %arg7[%arg0, %run_scoped3A, %multiple_of3A, %dma_wait3A] : memref<2x4x10000x64xbf16, #tpu.memory_space<hbm>> -> memref<1x1x624x64xbf16, #tpu.memory_space<hbm>>
        %dma_wait3A_73 = tpu.memref_squeeze %dma_wait3A_72 : memref<1x1x624x64xbf16, #tpu.memory_space<hbm>> -> memref<624x64xbf16, #tpu.memory_space<hbm>>
        %dma_wait3A_74 = arith.constant 0 : i32
        %dma_wait3A_75 = tpu.memref_slice %arg15[%multiple_of3A, %dma_wait3A_74] : memref<10000x64xbf16, #tpu.memory_space<vmem_shared>> -> memref<624x64xbf16, #tpu.memory_space<vmem_shared>>
        tpu.wait_dma2 semaphore(%run_scoped3A_67 : memref<!tpu.dma_semaphore, #tpu.memory_space<semaphore_mem>>) src(%dma_wait3A_75 : memref<624x64xbf16, #tpu.memory_space<vmem_shared>>) dst(%dma_wait3A_73 : memref<624x64xbf16, #tpu.memory_space<hbm>>)
        tpu.yield
      }) : () -> ()
    } else {
    }
    %eq3A_42 = arith.constant 15 : i32
    %eq3A_43 = arith.cmpi eq, %arg1, %eq3A_42 : i32
    %convert_element_type3A_44 = arith.extui %eq3A_43 : i1 to i32
    %cond3A_45 = arith.constant 0 : i32
    %cond3A_46 = arith.cmpi ne, %convert_element_type3A_44, %cond3A_45 : i32
    scf.if %cond3A_46 {
      %run_scoped3A = arith.constant 1 : i32
      "tpu.region"() ({
        %run_scoped3A_67 = tpu.sem_alloc : memref<!tpu.dma_semaphore, #tpu.memory_space<semaphore_mem>>
        %dma_start3A = arith.constant 9360 : i32
        %dma_start3A_68 = arith.constant 0 : i32
        %dma_start3A_69 = tpu.memref_slice %arg7[%arg0, %run_scoped3A, %dma_start3A, %dma_start3A_68] : memref<2x4x10000x64xbf16, #tpu.memory_space<hbm>> -> memref<1x1x640x64xbf16, #tpu.memory_space<hbm>>
        %dma_start3A_70 = tpu.memref_squeeze %dma_start3A_69 : memref<1x1x640x64xbf16, #tpu.memory_space<hbm>> -> memref<640x64xbf16, #tpu.memory_space<hbm>>
        %dma_start3A_71 = arith.constant 9360 : i32
        %dma_start3A_72 = arith.constant 0 : i32
        %dma_start3A_73 = tpu.memref_slice %arg15[%dma_start3A_71, %dma_start3A_72] : memref<10000x64xbf16, #tpu.memory_space<vmem_shared>> -> memref<640x64xbf16, #tpu.memory_space<vmem_shared>>
        tpu.enqueue_dma source(%dma_start3A_73 : memref<640x64xbf16, #tpu.memory_space<vmem_shared>>) target(%dma_start3A_70 : memref<640x64xbf16, #tpu.memory_space<hbm>>) target_semaphore(%run_scoped3A_67 : memref<!tpu.dma_semaphore, #tpu.memory_space<semaphore_mem>>)
        %dma_wait3A = arith.constant 9360 : i32
        %dma_wait3A_74 = arith.constant 0 : i32
        %dma_wait3A_75 = tpu.memref_slice %arg7[%arg0, %run_scoped3A, %dma_wait3A, %dma_wait3A_74] : memref<2x4x10000x64xbf16, #tpu.memory_space<hbm>> -> memref<1x1x640x64xbf16, #tpu.memory_space<hbm>>
        %dma_wait3A_76 = tpu.memref_squeeze %dma_wait3A_75 : memref<1x1x640x64xbf16, #tpu.memory_space<hbm>> -> memref<640x64xbf16, #tpu.memory_space<hbm>>
        %dma_wait3A_77 = arith.constant 9360 : i32
        %dma_wait3A_78 = arith.constant 0 : i32
        %dma_wait3A_79 = tpu.memref_slice %arg15[%dma_wait3A_77, %dma_wait3A_78] : memref<10000x64xbf16, #tpu.memory_space<vmem_shared>> -> memref<640x64xbf16, #tpu.memory_space<vmem_shared>>
        tpu.wait_dma2 semaphore(%run_scoped3A_67 : memref<!tpu.dma_semaphore, #tpu.memory_space<semaphore_mem>>) src(%dma_wait3A_79 : memref<640x64xbf16, #tpu.memory_space<vmem_shared>>) dst(%dma_wait3A_76 : memref<640x64xbf16, #tpu.memory_space<hbm>>)
        tpu.yield
      }) : () -> ()
    } else {
    }
    %lt3A_47 = arith.constant 15 : i32
    %lt3A_48 = arith.cmpi slt, %arg1, %lt3A_47 : i32
    %convert_element_type3A_49 = arith.extui %lt3A_48 : i1 to i32
    %cond3A_50 = arith.constant 0 : i32
    %cond3A_51 = arith.cmpi ne, %convert_element_type3A_49, %cond3A_50 : i32
    scf.if %cond3A_51 {
      %run_scoped3A = arith.constant 2 : i32
      "tpu.region"() ({
        %run_scoped3A_67 = tpu.sem_alloc : memref<!tpu.dma_semaphore, #tpu.memory_space<semaphore_mem>>
        %dma_start3A = arith.constant 0 : i32
        %dma_start3A_68 = tpu.memref_slice %arg7[%arg0, %run_scoped3A, %multiple_of3A, %dma_start3A] : memref<2x4x10000x64xbf16, #tpu.memory_space<hbm>> -> memref<1x1x624x64xbf16, #tpu.memory_space<hbm>>
        %dma_start3A_69 = tpu.memref_squeeze %dma_start3A_68 : memref<1x1x624x64xbf16, #tpu.memory_space<hbm>> -> memref<624x64xbf16, #tpu.memory_space<hbm>>
        %dma_start3A_70 = arith.constant 0 : i32
        %dma_start3A_71 = tpu.memref_slice %arg16[%multiple_of3A, %dma_start3A_70] : memref<10000x64xbf16, #tpu.memory_space<vmem_shared>> -> memref<624x64xbf16, #tpu.memory_space<vmem_shared>>
        tpu.enqueue_dma source(%dma_start3A_71 : memref<624x64xbf16, #tpu.memory_space<vmem_shared>>) target(%dma_start3A_69 : memref<624x64xbf16, #tpu.memory_space<hbm>>) target_semaphore(%run_scoped3A_67 : memref<!tpu.dma_semaphore, #tpu.memory_space<semaphore_mem>>)
        %dma_wait3A = arith.constant 0 : i32
        %dma_wait3A_72 = tpu.memref_slice %arg7[%arg0, %run_scoped3A, %multiple_of3A, %dma_wait3A] : memref<2x4x10000x64xbf16, #tpu.memory_space<hbm>> -> memref<1x1x624x64xbf16, #tpu.memory_space<hbm>>
        %dma_wait3A_73 = tpu.memref_squeeze %dma_wait3A_72 : memref<1x1x624x64xbf16, #tpu.memory_space<hbm>> -> memref<624x64xbf16, #tpu.memory_space<hbm>>
        %dma_wait3A_74 = arith.constant 0 : i32
        %dma_wait3A_75 = tpu.memref_slice %arg16[%multiple_of3A, %dma_wait3A_74] : memref<10000x64xbf16, #tpu.memory_space<vmem_shared>> -> memref<624x64xbf16, #tpu.memory_space<vmem_shared>>
        tpu.wait_dma2 semaphore(%run_scoped3A_67 : memref<!tpu.dma_semaphore, #tpu.memory_space<semaphore_mem>>) src(%dma_wait3A_75 : memref<624x64xbf16, #tpu.memory_space<vmem_shared>>) dst(%dma_wait3A_73 : memref<624x64xbf16, #tpu.memory_space<hbm>>)
        tpu.yield
      }) : () -> ()
    } else {
    }
    %eq3A_52 = arith.constant 15 : i32
    %eq3A_53 = arith.cmpi eq, %arg1, %eq3A_52 : i32
    %convert_element_type3A_54 = arith.extui %eq3A_53 : i1 to i32
    %cond3A_55 = arith.constant 0 : i32
    %cond3A_56 = arith.cmpi ne, %convert_element_type3A_54, %cond3A_55 : i32
    scf.if %cond3A_56 {
      %run_scoped3A = arith.constant 2 : i32
      "tpu.region"() ({
        %run_scoped3A_67 = tpu.sem_alloc : memref<!tpu.dma_semaphore, #tpu.memory_space<semaphore_mem>>
        %dma_start3A = arith.constant 9360 : i32
        %dma_start3A_68 = arith.constant 0 : i32
        %dma_start3A_69 = tpu.memref_slice %arg7[%arg0, %run_scoped3A, %dma_start3A, %dma_start3A_68] : memref<2x4x10000x64xbf16, #tpu.memory_space<hbm>> -> memref<1x1x640x64xbf16, #tpu.memory_space<hbm>>
        %dma_start3A_70 = tpu.memref_squeeze %dma_start3A_69 : memref<1x1x640x64xbf16, #tpu.memory_space<hbm>> -> memref<640x64xbf16, #tpu.memory_space<hbm>>
        %dma_start3A_71 = arith.constant 9360 : i32
        %dma_start3A_72 = arith.constant 0 : i32
        %dma_start3A_73 = tpu.memref_slice %arg16[%dma_start3A_71, %dma_start3A_72] : memref<10000x64xbf16, #tpu.memory_space<vmem_shared>> -> memref<640x64xbf16, #tpu.memory_space<vmem_shared>>
        tpu.enqueue_dma source(%dma_start3A_73 : memref<640x64xbf16, #tpu.memory_space<vmem_shared>>) target(%dma_start3A_70 : memref<640x64xbf16, #tpu.memory_space<hbm>>) target_semaphore(%run_scoped3A_67 : memref<!tpu.dma_semaphore, #tpu.memory_space<semaphore_mem>>)
        %dma_wait3A = arith.constant 9360 : i32
        %dma_wait3A_74 = arith.constant 0 : i32
        %dma_wait3A_75 = tpu.memref_slice %arg7[%arg0, %run_scoped3A, %dma_wait3A, %dma_wait3A_74] : memref<2x4x10000x64xbf16, #tpu.memory_space<hbm>> -> memref<1x1x640x64xbf16, #tpu.memory_space<hbm>>
        %dma_wait3A_76 = tpu.memref_squeeze %dma_wait3A_75 : memref<1x1x640x64xbf16, #tpu.memory_space<hbm>> -> memref<640x64xbf16, #tpu.memory_space<hbm>>
        %dma_wait3A_77 = arith.constant 9360 : i32
        %dma_wait3A_78 = arith.constant 0 : i32
        %dma_wait3A_79 = tpu.memref_slice %arg16[%dma_wait3A_77, %dma_wait3A_78] : memref<10000x64xbf16, #tpu.memory_space<vmem_shared>> -> memref<640x64xbf16, #tpu.memory_space<vmem_shared>>
        tpu.wait_dma2 semaphore(%run_scoped3A_67 : memref<!tpu.dma_semaphore, #tpu.memory_space<semaphore_mem>>) src(%dma_wait3A_79 : memref<640x64xbf16, #tpu.memory_space<vmem_shared>>) dst(%dma_wait3A_76 : memref<640x64xbf16, #tpu.memory_space<hbm>>)
        tpu.yield
      }) : () -> ()
    } else {
    }
    %lt3A_57 = arith.constant 15 : i32
    %lt3A_58 = arith.cmpi slt, %arg1, %lt3A_57 : i32
    %convert_element_type3A_59 = arith.extui %lt3A_58 : i1 to i32
    %cond3A_60 = arith.constant 0 : i32
    %cond3A_61 = arith.cmpi ne, %convert_element_type3A_59, %cond3A_60 : i32
    scf.if %cond3A_61 {
      %run_scoped3A = arith.constant 3 : i32
      "tpu.region"() ({
        %run_scoped3A_67 = tpu.sem_alloc : memref<!tpu.dma_semaphore, #tpu.memory_space<semaphore_mem>>
        %dma_start3A = arith.constant 0 : i32
        %dma_start3A_68 = tpu.memref_slice %arg7[%arg0, %run_scoped3A, %multiple_of3A, %dma_start3A] : memref<2x4x10000x64xbf16, #tpu.memory_space<hbm>> -> memref<1x1x624x64xbf16, #tpu.memory_space<hbm>>
        %dma_start3A_69 = tpu.memref_squeeze %dma_start3A_68 : memref<1x1x624x64xbf16, #tpu.memory_space<hbm>> -> memref<624x64xbf16, #tpu.memory_space<hbm>>
        %dma_start3A_70 = arith.constant 0 : i32
        %dma_start3A_71 = tpu.memref_slice %arg17[%multiple_of3A, %dma_start3A_70] : memref<10000x64xbf16, #tpu.memory_space<vmem_shared>> -> memref<624x64xbf16, #tpu.memory_space<vmem_shared>>
        tpu.enqueue_dma source(%dma_start3A_71 : memref<624x64xbf16, #tpu.memory_space<vmem_shared>>) target(%dma_start3A_69 : memref<624x64xbf16, #tpu.memory_space<hbm>>) target_semaphore(%run_scoped3A_67 : memref<!tpu.dma_semaphore, #tpu.memory_space<semaphore_mem>>)
        %dma_wait3A = arith.constant 0 : i32
        %dma_wait3A_72 = tpu.memref_slice %arg7[%arg0, %run_scoped3A, %multiple_of3A, %dma_wait3A] : memref<2x4x10000x64xbf16, #tpu.memory_space<hbm>> -> memref<1x1x624x64xbf16, #tpu.memory_space<hbm>>
        %dma_wait3A_73 = tpu.memref_squeeze %dma_wait3A_72 : memref<1x1x624x64xbf16, #tpu.memory_space<hbm>> -> memref<624x64xbf16, #tpu.memory_space<hbm>>
        %dma_wait3A_74 = arith.constant 0 : i32
        %dma_wait3A_75 = tpu.memref_slice %arg17[%multiple_of3A, %dma_wait3A_74] : memref<10000x64xbf16, #tpu.memory_space<vmem_shared>> -> memref<624x64xbf16, #tpu.memory_space<vmem_shared>>
        tpu.wait_dma2 semaphore(%run_scoped3A_67 : memref<!tpu.dma_semaphore, #tpu.memory_space<semaphore_mem>>) src(%dma_wait3A_75 : memref<624x64xbf16, #tpu.memory_space<vmem_shared>>) dst(%dma_wait3A_73 : memref<624x64xbf16, #tpu.memory_space<hbm>>)
        tpu.yield
      }) : () -> ()
    } else {
    }
    %eq3A_62 = arith.constant 15 : i32
    %eq3A_63 = arith.cmpi eq, %arg1, %eq3A_62 : i32
    %convert_element_type3A_64 = arith.extui %eq3A_63 : i1 to i32
    %cond3A_65 = arith.constant 0 : i32
    %cond3A_66 = arith.cmpi ne, %convert_element_type3A_64, %cond3A_65 : i32
    scf.if %cond3A_66 {
      %run_scoped3A = arith.constant 3 : i32
      "tpu.region"() ({
        %run_scoped3A_67 = tpu.sem_alloc : memref<!tpu.dma_semaphore, #tpu.memory_space<semaphore_mem>>
        %dma_start3A = arith.constant 9360 : i32
        %dma_start3A_68 = arith.constant 0 : i32
        %dma_start3A_69 = tpu.memref_slice %arg7[%arg0, %run_scoped3A, %dma_start3A, %dma_start3A_68] : memref<2x4x10000x64xbf16, #tpu.memory_space<hbm>> -> memref<1x1x640x64xbf16, #tpu.memory_space<hbm>>
        %dma_start3A_70 = tpu.memref_squeeze %dma_start3A_69 : memref<1x1x640x64xbf16, #tpu.memory_space<hbm>> -> memref<640x64xbf16, #tpu.memory_space<hbm>>
        %dma_start3A_71 = arith.constant 9360 : i32
        %dma_start3A_72 = arith.constant 0 : i32
        %dma_start3A_73 = tpu.memref_slice %arg17[%dma_start3A_71, %dma_start3A_72] : memref<10000x64xbf16, #tpu.memory_space<vmem_shared>> -> memref<640x64xbf16, #tpu.memory_space<vmem_shared>>
        tpu.enqueue_dma source(%dma_start3A_73 : memref<640x64xbf16, #tpu.memory_space<vmem_shared>>) target(%dma_start3A_70 : memref<640x64xbf16, #tpu.memory_space<hbm>>) target_semaphore(%run_scoped3A_67 : memref<!tpu.dma_semaphore, #tpu.memory_space<semaphore_mem>>)
        %dma_wait3A = arith.constant 9360 : i32
        %dma_wait3A_74 = arith.constant 0 : i32
        %dma_wait3A_75 = tpu.memref_slice %arg7[%arg0, %run_scoped3A, %dma_wait3A, %dma_wait3A_74] : memref<2x4x10000x64xbf16, #tpu.memory_space<hbm>> -> memref<1x1x640x64xbf16, #tpu.memory_space<hbm>>
        %dma_wait3A_76 = tpu.memref_squeeze %dma_wait3A_75 : memref<1x1x640x64xbf16, #tpu.memory_space<hbm>> -> memref<640x64xbf16, #tpu.memory_space<hbm>>
        %dma_wait3A_77 = arith.constant 9360 : i32
        %dma_wait3A_78 = arith.constant 0 : i32
        %dma_wait3A_79 = tpu.memref_slice %arg17[%dma_wait3A_77, %dma_wait3A_78] : memref<10000x64xbf16, #tpu.memory_space<vmem_shared>> -> memref<640x64xbf16, #tpu.memory_space<vmem_shared>>
        tpu.wait_dma2 semaphore(%run_scoped3A_67 : memref<!tpu.dma_semaphore, #tpu.memory_space<semaphore_mem>>) src(%dma_wait3A_79 : memref<640x64xbf16, #tpu.memory_space<vmem_shared>>) dst(%dma_wait3A_76 : memref<640x64xbf16, #tpu.memory_space<hbm>>)
        tpu.yield
      }) : () -> ()
    } else {
    }
    return
  }
}

module attributes {stable_mosaic.version = 14 : i64} {
  func.func @_scale_body(%arg0: i32, %arg1: memref<400x120xf32, #tpu.memory_space<vmem>>, %arg2: memref<120x128xf32, #tpu.memory_space<vmem>>, %arg3: memref<400x2xf32, #tpu.memory_space<vmem>>, %arg4: memref<400x64xbf16, #tpu.memory_space<vmem>>, %arg5: memref<400x64xbf16, #tpu.memory_space<vmem>>) attributes {dimension_semantics = [#tpu.dimension_semantics<arbitrary>], iteration_bounds = array<i64: 25>, scalar_prefetch = 0 : i64, scratch_operands = 0 : i64, tpu.core_type = #tpu.core_type<tc>, window_params = [{transform_indices = @transform_0, window_bounds = array<i64: 400, 120>}, {pipeline_mode = #tpu.pipeline_mode<synchronous>, transform_indices = @transform_1, window_bounds = array<i64: 120, 128>}, {transform_indices = @transform_2, window_bounds = array<i64: 400, 2>}, {transform_indices = @transform_3, window_bounds = array<i64: 400, 64>}, {transform_indices = @transform_4, window_bounds = array<i64: 400, 64>}]} {
    %get3A = arith.constant 0 : index
    %get3A_0 = arith.constant 0 : index
    %get3A_1 = vector.load %arg3[%get3A, %get3A_0] : memref<400x2xf32, #tpu.memory_space<vmem>>, vector<400x1xf32>
    %get3A_2 = arith.constant 0 : index
    %get3A_3 = arith.constant 1 : index
    %get3A_4 = vector.load %arg3[%get3A_2, %get3A_3] : memref<400x2xf32, #tpu.memory_space<vmem>>, vector<400x1xf32>
    %add3A = arith.addf %get3A_1, %get3A_4 : vector<400x1xf32>
    %add3A_5 = arith.constant 1.000000e+00 : f32
    %add3A_6 = vector.broadcast %add3A_5 : f32 to vector<400x1xf32>
    %add3A_7 = arith.addf %add3A, %add3A_6 : vector<400x1xf32>
    %rsqrt3A = math.rsqrt %add3A_7 : vector<400x1xf32>
    %get3A_8 = arith.constant 0 : index
    %get3A_9 = arith.constant 0 : index
    %get3A_10 = vector.load %arg1[%get3A_8, %get3A_9] : memref<400x120xf32, #tpu.memory_space<vmem>>, vector<400x120xf32>
    %get3A_11 = arith.constant 0 : index
    %get3A_12 = arith.constant 0 : index
    %get3A_13 = vector.load %arg2[%get3A_11, %get3A_12] : memref<120x128xf32, #tpu.memory_space<vmem>>, vector<120x128xf32>
    %dot_general3A = arith.constant dense<0.000000e+00> : vector<400x128xf32>
    %dot_general3A_14 = tpu.matmul %get3A_10, %get3A_13, %dot_general3A {dimension_numbers = #tpu.dot_dimension_numbers<[1], [0], [0], [1], [0, 0, 1, 1], [], []>, precision = #tpu.contract_precision<fp32>, transpose_lhs_hint = false} : vector<400x120xf32>, vector<120x128xf32>, vector<400x128xf32> -> vector<400x128xf32>
    %mul3A = vector.broadcast %rsqrt3A : vector<400x1xf32> to vector<400x128xf32>
    %mul3A_15 = arith.mulf %dot_general3A_14, %mul3A : vector<400x128xf32>
    %convert_element_type3A = arith.truncf %mul3A_15 : vector<400x128xf32> to vector<400x128xbf16>
    %slice3A = vector.extract_strided_slice %convert_element_type3A {offsets = [0, 0], sizes = [400, 64], strides = [1, 1]} : vector<400x128xbf16> to vector<400x64xbf16>
    %swap3A = arith.constant 0 : index
    %swap3A_16 = arith.constant 0 : index
    %swap3A_17 = vector.load %arg4[%swap3A, %swap3A_16] : memref<400x64xbf16, #tpu.memory_space<vmem>>, vector<400x64xbf16>
    tpu.vector_store %arg4[%swap3A, %swap3A_16], %slice3A {strides = array<i32>} : memref<400x64xbf16, #tpu.memory_space<vmem>>, vector<400x64xbf16>,
    %slice3A_18 = vector.extract_strided_slice %convert_element_type3A {offsets = [0, 64], sizes = [400, 64], strides = [1, 1]} : vector<400x128xbf16> to vector<400x64xbf16>
    %swap3A_19 = arith.constant 0 : index
    %swap3A_20 = arith.constant 0 : index
    %swap3A_21 = vector.load %arg5[%swap3A_19, %swap3A_20] : memref<400x64xbf16, #tpu.memory_space<vmem>>, vector<400x64xbf16>
    tpu.vector_store %arg5[%swap3A_19, %swap3A_20], %slice3A_18 {strides = array<i32>} : memref<400x64xbf16, #tpu.memory_space<vmem>>, vector<400x64xbf16>,
    return
  }
  func.func @transform_0(%arg0: i32) -> (i32, i32) {
    %c0_i32 = arith.constant 0 : i32
    %c0_i32_0 = arith.constant 0 : i32
    return %arg0, %c0_i32 : i32, i32
  }
  func.func @transform_1(%arg0: i32) -> (i32, i32) {
    %c0_i32 = arith.constant 0 : i32
    %c0_i32_0 = arith.constant 0 : i32
    %c0_i32_1 = arith.constant 0 : i32
    return %c0_i32, %c0_i32_0 : i32, i32
  }
  func.func @transform_2(%arg0: i32) -> (i32, i32) {
    %c0_i32 = arith.constant 0 : i32
    %c0_i32_0 = arith.constant 0 : i32
    return %arg0, %c0_i32 : i32, i32
  }
  func.func @transform_3(%arg0: i32) -> (i32, i32) {
    %c0_i32 = arith.constant 0 : i32
    %c0_i32_0 = arith.constant 0 : i32
    return %arg0, %c0_i32 : i32, i32
  }
  func.func @transform_4(%arg0: i32) -> (i32, i32) {
    %c0_i32 = arith.constant 0 : i32
    %c0_i32_0 = arith.constant 0 : i32
    return %arg0, %c0_i32 : i32, i32
  }
}

module attributes {stable_mosaic.version = 14 : i64} {
  func.func @_out_body(%arg0: i32, %arg1: memref<2x4x200x128xbf16, #tpu.memory_space<vmem>>, %arg2: memref<200x4xf32, #tpu.memory_space<vmem>>, %arg3: memref<2x128xf32, #tpu.memory_space<vmem>>, %arg4: memref<2x128x128xf32, #tpu.memory_space<vmem>>, %arg5: memref<128xf32, #tpu.memory_space<vmem>>, %arg6: memref<200x128xf32, #tpu.memory_space<vmem>>) attributes {dimension_semantics = [#tpu.dimension_semantics<arbitrary>], iteration_bounds = array<i64: 25>, scalar_prefetch = 0 : i64, scratch_operands = 0 : i64, tpu.core_type = #tpu.core_type<tc>, window_params = [{transform_indices = @transform_0, window_bounds = array<i64: 2, 4, 200, 128>}, {transform_indices = @transform_1, window_bounds = array<i64: 200, 4>}, {pipeline_mode = #tpu.pipeline_mode<synchronous>, transform_indices = @transform_2, window_bounds = array<i64: 2, 128>}, {pipeline_mode = #tpu.pipeline_mode<synchronous>, transform_indices = @transform_3, window_bounds = array<i64: 2, 128, 128>}, {pipeline_mode = #tpu.pipeline_mode<synchronous>, transform_indices = @transform_4, window_bounds = array<i64: 128>}, {transform_indices = @transform_5, window_bounds = array<i64: 200, 128>}]} {
    %get3A = arith.constant 0 : index
    %get3A_0 = arith.constant 0 : index
    %get3A_1 = vector.load %arg2[%get3A, %get3A_0] : memref<200x4xf32, #tpu.memory_space<vmem>>, vector<200x1xf32>
    %get3A_2 = arith.constant 0 : index
    %get3A_3 = arith.constant 1 : index
    %get3A_4 = vector.load %arg2[%get3A_2, %get3A_3] : memref<200x4xf32, #tpu.memory_space<vmem>>, vector<200x1xf32>
    %add3A = arith.addf %get3A_1, %get3A_4 : vector<200x1xf32>
    %add3A_5 = arith.constant 1.000000e+00 : f32
    %add3A_6 = vector.broadcast %add3A_5 : f32 to vector<200x1xf32>
    %add3A_7 = arith.addf %add3A, %add3A_6 : vector<200x1xf32>
    %get3A_8 = arith.constant 0 : index
    %get3A_9 = arith.constant 2 : index
    %get3A_10 = vector.load %arg2[%get3A_8, %get3A_9] : memref<200x4xf32, #tpu.memory_space<vmem>>, vector<200x1xf32>
    %get3A_11 = arith.constant 0 : index
    %get3A_12 = arith.constant 3 : index
    %get3A_13 = vector.load %arg2[%get3A_11, %get3A_12] : memref<200x4xf32, #tpu.memory_space<vmem>>, vector<200x1xf32>
    %add3A_14 = arith.addf %get3A_10, %get3A_13 : vector<200x1xf32>
    %add3A_15 = arith.constant 1.000000e+00 : f32
    %add3A_16 = vector.broadcast %add3A_15 : f32 to vector<200x1xf32>
    %add3A_17 = arith.addf %add3A_14, %add3A_16 : vector<200x1xf32>
    %iota3A = tpu.iota {dimensions = array<i32: 1>} : vector<200x128xi32>
    %lt3A = arith.constant 64 : i32
    %lt3A_18 = vector.broadcast %lt3A : i32 to vector<200x128xi32>
    %lt3A_19 = arith.cmpi slt, %iota3A, %lt3A_18 : vector<200x128xi32>
    %broadcast_in_dim3A = vector.shape_cast %add3A_7 : vector<200x1xf32> to vector<200x1xf32>
    %broadcast_in_dim3A_20 = vector.broadcast %broadcast_in_dim3A : vector<200x1xf32> to vector<200x128xf32>
    %broadcast_in_dim3A_21 = vector.shape_cast %add3A_17 : vector<200x1xf32> to vector<200x1xf32>
    %broadcast_in_dim3A_22 = vector.broadcast %broadcast_in_dim3A_21 : vector<200x1xf32> to vector<200x128xf32>
    %select_n3A = arith.select %lt3A_19, %broadcast_in_dim3A_20, %broadcast_in_dim3A_22 : vector<200x128xi1>, vector<200x128xf32>
    %rsqrt3A = math.rsqrt %select_n3A : vector<200x128xf32>
    %get3A_23 = arith.constant 0 : index
    %get3A_24 = vector.load %arg5[%get3A_23] : memref<128xf32, #tpu.memory_space<vmem>>, vector<128xf32>
    %broadcast_in_dim3A_25 = vector.shape_cast %get3A_24 : vector<128xf32> to vector<1x128xf32>
    %broadcast_in_dim3A_26 = vector.shape_cast %broadcast_in_dim3A_25 : vector<1x128xf32> to vector<1x128xf32>
    %broadcast_in_dim3A_27 = vector.broadcast %broadcast_in_dim3A_26 : vector<1x128xf32> to vector<200x128xf32>
    %get3A_28 = arith.constant 0 : index
    %get3A_29 = arith.constant 0 : index
    %get3A_30 = arith.constant 0 : index
    %get3A_31 = arith.constant 0 : index
    %get3A_32 = vector.load %arg1[%get3A_28, %get3A_29, %get3A_30, %get3A_31] : memref<2x4x200x128xbf16, #tpu.memory_space<vmem>>, vector<1x1x200x128xbf16>
    %get3A_33 = vector.shape_cast %get3A_32 : vector<1x1x200x128xbf16> to vector<200x128xbf16>
    %convert_element_type3A = arith.extf %get3A_33 : vector<200x128xbf16> to vector<200x128xf32>
    %add3A_34 = arith.constant 0.000000e+00 : f32
    %add3A_35 = vector.broadcast %add3A_34 : f32 to vector<200x128xf32>
    %add3A_36 = arith.addf %add3A_35, %convert_element_type3A : vector<200x128xf32>
    %get3A_37 = arith.constant 0 : index
    %get3A_38 = arith.constant 1 : index
    %get3A_39 = arith.constant 0 : index
    %get3A_40 = arith.constant 0 : index
    %get3A_41 = vector.load %arg1[%get3A_37, %get3A_38, %get3A_39, %get3A_40] : memref<2x4x200x128xbf16, #tpu.memory_space<vmem>>, vector<1x1x200x128xbf16>
    %get3A_42 = vector.shape_cast %get3A_41 : vector<1x1x200x128xbf16> to vector<200x128xbf16>
    %convert_element_type3A_43 = arith.extf %get3A_42 : vector<200x128xbf16> to vector<200x128xf32>
    %add3A_44 = arith.addf %add3A_36, %convert_element_type3A_43 : vector<200x128xf32>
    %get3A_45 = arith.constant 0 : index
    %get3A_46 = arith.constant 2 : index
    %get3A_47 = arith.constant 0 : index
    %get3A_48 = arith.constant 0 : index
    %get3A_49 = vector.load %arg1[%get3A_45, %get3A_46, %get3A_47, %get3A_48] : memref<2x4x200x128xbf16, #tpu.memory_space<vmem>>, vector<1x1x200x128xbf16>
    %get3A_50 = vector.shape_cast %get3A_49 : vector<1x1x200x128xbf16> to vector<200x128xbf16>
    %convert_element_type3A_51 = arith.extf %get3A_50 : vector<200x128xbf16> to vector<200x128xf32>
    %add3A_52 = arith.addf %add3A_44, %convert_element_type3A_51 : vector<200x128xf32>
    %get3A_53 = arith.constant 0 : index
    %get3A_54 = arith.constant 3 : index
    %get3A_55 = arith.constant 0 : index
    %get3A_56 = arith.constant 0 : index
    %get3A_57 = vector.load %arg1[%get3A_53, %get3A_54, %get3A_55, %get3A_56] : memref<2x4x200x128xbf16, #tpu.memory_space<vmem>>, vector<1x1x200x128xbf16>
    %get3A_58 = vector.shape_cast %get3A_57 : vector<1x1x200x128xbf16> to vector<200x128xbf16>
    %convert_element_type3A_59 = arith.extf %get3A_58 : vector<200x128xbf16> to vector<200x128xf32>
    %add3A_60 = arith.addf %add3A_52, %convert_element_type3A_59 : vector<200x128xf32>
    %mul3A = arith.mulf %add3A_60, %rsqrt3A : vector<200x128xf32>
    %get3A_61 = arith.constant 0 : index
    %get3A_62 = arith.constant 0 : index
    %get3A_63 = vector.load %arg3[%get3A_61, %get3A_62] : memref<2x128xf32, #tpu.memory_space<vmem>>, vector<1x128xf32>
    %get3A_64 = vector.shape_cast %get3A_63 : vector<1x128xf32> to vector<128xf32>
    %broadcast_in_dim3A_65 = vector.shape_cast %get3A_64 : vector<128xf32> to vector<1x128xf32>
    %add3A_66 = vector.broadcast %broadcast_in_dim3A_65 : vector<1x128xf32> to vector<200x128xf32>
    %add3A_67 = arith.addf %mul3A, %add3A_66 : vector<200x128xf32>
    %max3A = arith.constant 0.000000e+00 : f32
    %max3A_68 = vector.broadcast %max3A : f32 to vector<200x128xf32>
    %max3A_69 = arith.maximumf %add3A_67, %max3A_68 : vector<200x128xf32>
    %get3A_70 = arith.constant 0 : index
    %get3A_71 = arith.constant 0 : index
    %get3A_72 = arith.constant 0 : index
    %get3A_73 = vector.load %arg4[%get3A_70, %get3A_71, %get3A_72] : memref<2x128x128xf32, #tpu.memory_space<vmem>>, vector<1x128x128xf32>
    %get3A_74 = vector.shape_cast %get3A_73 : vector<1x128x128xf32> to vector<128x128xf32>
    %dot_general3A = arith.constant dense<0.000000e+00> : vector<200x128xf32>
    %dot_general3A_75 = tpu.matmul %max3A_69, %get3A_74, %dot_general3A {dimension_numbers = #tpu.dot_dimension_numbers<[1], [0], [0], [1], [0, 0, 1, 1], [], []>, precision = #tpu.contract_precision<fp32>, transpose_lhs_hint = false} : vector<200x128xf32>, vector<128x128xf32>, vector<200x128xf32> -> vector<200x128xf32>
    %add3A_76 = arith.addf %broadcast_in_dim3A_27, %dot_general3A_75 : vector<200x128xf32>
    %get3A_77 = arith.constant 1 : index
    %get3A_78 = arith.constant 0 : index
    %get3A_79 = arith.constant 0 : index
    %get3A_80 = arith.constant 0 : index
    %get3A_81 = vector.load %arg1[%get3A_77, %get3A_78, %get3A_79, %get3A_80] : memref<2x4x200x128xbf16, #tpu.memory_space<vmem>>, vector<1x1x200x128xbf16>
    %get3A_82 = vector.shape_cast %get3A_81 : vector<1x1x200x128xbf16> to vector<200x128xbf16>
    %convert_element_type3A_83 = arith.extf %get3A_82 : vector<200x128xbf16> to vector<200x128xf32>
    %add3A_84 = arith.constant 0.000000e+00 : f32
    %add3A_85 = vector.broadcast %add3A_84 : f32 to vector<200x128xf32>
    %add3A_86 = arith.addf %add3A_85, %convert_element_type3A_83 : vector<200x128xf32>
    %get3A_87 = arith.constant 1 : index
    %get3A_88 = arith.constant 1 : index
    %get3A_89 = arith.constant 0 : index
    %get3A_90 = arith.constant 0 : index
    %get3A_91 = vector.load %arg1[%get3A_87, %get3A_88, %get3A_89, %get3A_90] : memref<2x4x200x128xbf16, #tpu.memory_space<vmem>>, vector<1x1x200x128xbf16>
    %get3A_92 = vector.shape_cast %get3A_91 : vector<1x1x200x128xbf16> to vector<200x128xbf16>
    %convert_element_type3A_93 = arith.extf %get3A_92 : vector<200x128xbf16> to vector<200x128xf32>
    %add3A_94 = arith.addf %add3A_86, %convert_element_type3A_93 : vector<200x128xf32>
    %get3A_95 = arith.constant 1 : index
    %get3A_96 = arith.constant 2 : index
    %get3A_97 = arith.constant 0 : index
    %get3A_98 = arith.constant 0 : index
    %get3A_99 = vector.load %arg1[%get3A_95, %get3A_96, %get3A_97, %get3A_98] : memref<2x4x200x128xbf16, #tpu.memory_space<vmem>>, vector<1x1x200x128xbf16>
    %get3A_100 = vector.shape_cast %get3A_99 : vector<1x1x200x128xbf16> to vector<200x128xbf16>
    %convert_element_type3A_101 = arith.extf %get3A_100 : vector<200x128xbf16> to vector<200x128xf32>
    %add3A_102 = arith.addf %add3A_94, %convert_element_type3A_101 : vector<200x128xf32>
    %get3A_103 = arith.constant 1 : index
    %get3A_104 = arith.constant 3 : index
    %get3A_105 = arith.constant 0 : index
    %get3A_106 = arith.constant 0 : index
    %get3A_107 = vector.load %arg1[%get3A_103, %get3A_104, %get3A_105, %get3A_106] : memref<2x4x200x128xbf16, #tpu.memory_space<vmem>>, vector<1x1x200x128xbf16>
    %get3A_108 = vector.shape_cast %get3A_107 : vector<1x1x200x128xbf16> to vector<200x128xbf16>
    %convert_element_type3A_109 = arith.extf %get3A_108 : vector<200x128xbf16> to vector<200x128xf32>
    %add3A_110 = arith.addf %add3A_102, %convert_element_type3A_109 : vector<200x128xf32>
    %mul3A_111 = arith.mulf %add3A_110, %rsqrt3A : vector<200x128xf32>
    %get3A_112 = arith.constant 1 : index
    %get3A_113 = arith.constant 0 : index
    %get3A_114 = vector.load %arg3[%get3A_112, %get3A_113] : memref<2x128xf32, #tpu.memory_space<vmem>>, vector<1x128xf32>
    %get3A_115 = vector.shape_cast %get3A_114 : vector<1x128xf32> to vector<128xf32>
    %broadcast_in_dim3A_116 = vector.shape_cast %get3A_115 : vector<128xf32> to vector<1x128xf32>
    %add3A_117 = vector.broadcast %broadcast_in_dim3A_116 : vector<1x128xf32> to vector<200x128xf32>
    %add3A_118 = arith.addf %mul3A_111, %add3A_117 : vector<200x128xf32>
    %max3A_119 = arith.constant 0.000000e+00 : f32
    %max3A_120 = vector.broadcast %max3A_119 : f32 to vector<200x128xf32>
    %max3A_121 = arith.maximumf %add3A_118, %max3A_120 : vector<200x128xf32>
    %get3A_122 = arith.constant 1 : index
    %get3A_123 = arith.constant 0 : index
    %get3A_124 = arith.constant 0 : index
    %get3A_125 = vector.load %arg4[%get3A_122, %get3A_123, %get3A_124] : memref<2x128x128xf32, #tpu.memory_space<vmem>>, vector<1x128x128xf32>
    %get3A_126 = vector.shape_cast %get3A_125 : vector<1x128x128xf32> to vector<128x128xf32>
    %dot_general3A_127 = arith.constant dense<0.000000e+00> : vector<200x128xf32>
    %dot_general3A_128 = tpu.matmul %max3A_121, %get3A_126, %dot_general3A_127 {dimension_numbers = #tpu.dot_dimension_numbers<[1], [0], [0], [1], [0, 0, 1, 1], [], []>, precision = #tpu.contract_precision<fp32>, transpose_lhs_hint = false} : vector<200x128xf32>, vector<128x128xf32>, vector<200x128xf32> -> vector<200x128xf32>
    %add3A_129 = arith.addf %add3A_76, %dot_general3A_128 : vector<200x128xf32>
    %swap3A = arith.constant 0 : index
    %swap3A_130 = arith.constant 0 : index
    %swap3A_131 = vector.load %arg6[%swap3A, %swap3A_130] : memref<200x128xf32, #tpu.memory_space<vmem>>, vector<200x128xf32>
    tpu.vector_store %arg6[%swap3A, %swap3A_130], %add3A_129 {strides = array<i32>} : memref<200x128xf32, #tpu.memory_space<vmem>>, vector<200x128xf32>,
    return
  }
  func.func @transform_0(%arg0: i32) -> (i32, i32, i32, i32) {
    %c0_i32 = arith.constant 0 : i32
    %c0_i32_0 = arith.constant 0 : i32
    %c0_i32_1 = arith.constant 0 : i32
    %c0_i32_2 = arith.constant 0 : i32
    return %c0_i32, %c0_i32_0, %arg0, %c0_i32_1 : i32, i32, i32, i32
  }
  func.func @transform_1(%arg0: i32) -> (i32, i32) {
    %c0_i32 = arith.constant 0 : i32
    %c0_i32_0 = arith.constant 0 : i32
    return %arg0, %c0_i32 : i32, i32
  }
  func.func @transform_2(%arg0: i32) -> (i32, i32) {
    %c0_i32 = arith.constant 0 : i32
    %c0_i32_0 = arith.constant 0 : i32
    %c0_i32_1 = arith.constant 0 : i32
    return %c0_i32, %c0_i32_0 : i32, i32
  }
  func.func @transform_3(%arg0: i32) -> (i32, i32, i32) {
    %c0_i32 = arith.constant 0 : i32
    %c0_i32_0 = arith.constant 0 : i32
    %c0_i32_1 = arith.constant 0 : i32
    %c0_i32_2 = arith.constant 0 : i32
    return %c0_i32, %c0_i32_0, %c0_i32_1 : i32, i32, i32
  }
  func.func @transform_4(%arg0: i32) -> i32 {
    %c0_i32 = arith.constant 0 : i32
    %c0_i32_0 = arith.constant 0 : i32
    return %c0_i32 : i32
  }
  func.func @transform_5(%arg0: i32) -> (i32, i32) {
    %c0_i32 = arith.constant 0 : i32
    %c0_i32_0 = arith.constant 0 : i32
    return %arg0, %c0_i32 : i32, i32
  }
}

</mosaic_0001>

<sc_bundles>
// kernel: kernel.6.cloned.1.call-start
scs
__scs_entry_jumppad:
0x0: {  	(pc) =	sbr.rel $0x88, $3  }
0x1: {  	(tag) =	ssettag $0x0;
	lr =	simm.s32 $0x1  }
0x2: {  	[smem:$0x3F9B] =	sst lr;
	_ =	strace $0xD0000000  }
0x3: {  	_ = 	snop  }
0x4: {  	_ = 	snop  }
0x5: {  	_ = 	snop  }
0x6: {  	_ = 	snop  }
0x7: {  	_ = 	snop  }
__scs_overlays_trampoline_lowered:
0x8: {  	[smem:$0x3FAA] =	sst s0  }
0x9: {  	[smem:$0x3FAB] =	sst s1  }
0xa: {  	[smem:$0x3FAC] =	sst s2  }
0xb: {  	[smem:$0x3FAD] =	sst s3  }
0xc: {  	[smem:$0x3FAE] =	sst s4  }
0xd: {  	[smem:$0x3FAF] =	sst s5  }
0xe: {  	[smem:$0x3FB0] =	sst s6  }
0xf: {  	[smem:$0x3FB1] =	sst s7  }
0x10: {  	[smem:$0x3FB2] =	sst s8  }
0x11: {  	[smem:$0x3FB3] =	sst s9;
	s0 =	simm.s32 @!p0 $0x0  }
0x12: {  	s1 =	sld [smem:$0x3F99];
	s0 =	simm.s32 @p0 $0x1  }
0x13: {  	[smem:$0x3FB4] =	sst s0;
	s0 =	simm.s32 @!p1 $0x0  }
0x14: {  	s2 =	sld [smem:$0x3F98];
	s0 =	simm.s32 @p1 $0x1  }
0x15: {  	[smem:$0x3FB5] =	sst s0;
	s0 =	simm.s32 @!p2 $0x0  }
0x16: {  	s3 =	sld [smem:$0x3FDB];
	s0 =	simm.s32 @p2 $0x1  }
0x17: {  	s4 =	simm.s32 $0x1BF5;
	[smem:$0x3FB7] =	sst s0  }
0x18: {  	s0 =	sld [smem:$0x3F9A];
	_ =	swait.ge [sflag:s4], $0x0  }
0x19: {  	s7 =	sld [smem:$0x3F9B]  }
0x1a: {  	s8 =	sadd.s32 $0xFFFFE003, lr  }
0x1b: {  	s9 =	sadd.s32 $0xFFFFFEF7, lr;
	s5 =	simm.s32 $0xFFFFFFFF;
	p2 =	slt.u32 s8, $0xFFFFF086  }
0x1c: {  	p1 =	slt.u32 s9, $0xF7A;
	s5 =	simm.s32 @!p2 $0x0  }
0x1d: {  	s5 =	simm.s32 @p1 $0x1;
	p0 =	seq.s32 s7, s2  }
0x1e: {  	s7 =	smul.u32 @!p0 $0xF7A, s2;
	p2 =	seq.s32 @!p0 s5, $0x0  }
0x1f: {  	s9 =	smul.u32 $0xF7A, s1;
	s8 =	simm.s32 @!p0 $0x1BF5;
	p2 =	por !p2, p0  }
0x20: {  	[sflag:s8] =	ssyncset.s32 @!p0 $0xFFFFF086;
	s6 =	sadd.s32 @!p0 s3, s7;
	s7 =	simm.s32 @!p0 $0x108  }
0x21: {  	s3 =	sadd.s32 s3, s9;
	s6 =	sadd.s32 @!p0 $0x88, s6;
	s7 =	simm.s32 @p2 $0x1082  }
0x22: {  	[simem:s7], [sflag:s8] =	dma.local @!p0 [hbm:s6], $0xF7A  }
0x23: {  	s9 =	sor.u32 $0xD0000000, s2;
	s6 =	simm.s32 $0x108;
	_ =	swait.ge @!p0 [sflag:s8], $0x0  }
0x24: {  	s3 =	sadd.s32 $0x88, s3;
	s6 =	simm.s32 @!p1 $0x1082;
	[sflag:s4] =	ssyncset.s32 $0xFFFFF086  }
0x25: {  	[simem:s6], [sflag:s4] =	dma.local [hbm:s3], $0xF7A  }
0x26: {  	[smem:$0x3F9B] =	sst s1;
	(tag) =	ssettag s2;
	_ =	strace s9  }
0x27: {  	s1 =	sld [smem:$0x3FAB]  }
0x28: {  	s2 =	sld [smem:$0x3FAC]  }
0x29: {  	s4 =	sld [smem:$0x3FAE]  }
0x2a: {  	p0 =	seq.s32 s5, $0x0;
	s5 =	sld [smem:$0x3FAF]  }
0x2b: {  	s6 =	sld [smem:$0x3FB0]  }
0x2c: {  	s7 =	sld [smem:$0x3FB1]  }
0x2d: {  	s3 =	simm.s32 $0x108;
	s8 =	sld [smem:$0x3FB2]  }
0x2e: {  	s3 =	simm.s32 @!p0 $0x1082;
	s9 =	sld [smem:$0x3FB3]  }
0x2f: {  	lr =	sadd.s32 s0, s3;
	s0 =	sld [smem:$0x3FAA]  }
0x30: {  	s3 =	sld [smem:$0x3FAD]  }
0x31: {  	[smem:$0x3FB6] =	sst s10  }
0x32: {  	s10 =	sld [smem:$0x3FB4];
	_ =	sdelay $0x3  }
0x33: {  	p0 =	seq.s32 s10, $0x1;
	s10 =	sld [smem:$0x3FB6];
	_ =	sdelay $0x3  }
0x34: {  	[smem:$0x3FB6] =	sst s10  }
0x35: {  	s10 =	sld [smem:$0x3FB5];
	_ =	sdelay $0x3  }
0x36: {  	p1 =	seq.s32 s10, $0x1;
	s10 =	sld [smem:$0x3FB6];
	_ =	sdelay $0x3  }
0x37: {  	[smem:$0x3FB6] =	sst s10  }
0x38: {  	s10 =	sld [smem:$0x3FB7]  }
0x39: {  	_ = 	snop;
	(pc) =	sbr.ind lr, $3  }
0x3a: {  	_ = 	snop  }
0x3b: {  	_ = 	snop  }
0x3c: {  	p2 =	seq.s32 s10, $0x1;
	s10 =	sld [smem:$0x3FB6]  }
0x3d: {  	_ =	shalt  }
0x3e: {  	_ =	shalt  }
0x3f: {  	_ =	shalt  }
0x40: {  	_ =	shalt  }
0x41: {  	_ =	shalt  }
0x42: {  	_ =	shalt  }
0x43: {  	_ =	shalt  }
0x44: {  	_ =	shalt  }
0x45: {  	_ =	shalt  }
0x46: {  	_ =	shalt  }
0x47: {  	_ =	shalt  }
0x48: {  	_ =	shalt  }
0x49: {  	_ =	shalt  }
0x4a: {  	_ =	shalt  }
0x4b: {  	_ =	shalt  }
0x4c: {  	_ =	shalt  }
0x4d: {  	_ =	shalt  }
0x4e: {  	_ =	shalt  }
0x4f: {  	_ =	shalt  }
0x50: {  	_ =	shalt  }
0x51: {  	_ =	shalt  }
0x52: {  	_ =	shalt  }
0x53: {  	_ =	shalt  }
0x54: {  	_ =	shalt  }
0x55: {  	_ =	shalt  }
0x56: {  	_ =	shalt  }
0x57: {  	_ =	shalt  }
0x58: {  	_ =	shalt  }
0x59: {  	_ =	shalt  }
0x5a: {  	_ =	shalt  }
0x5b: {  	_ =	shalt  }
0x5c: {  	_ =	shalt  }
0x5d: {  	_ =	shalt  }
0x5e: {  	_ =	shalt  }
0x5f: {  	_ =	shalt  }
0x60: {  	_ =	shalt  }
0x61: {  	_ =	shalt  }
0x62: {  	_ =	shalt  }
0x63: {  	_ =	shalt  }
0x64: {  	_ =	shalt  }
0x65: {  	_ =	shalt  }
0x66: {  	_ =	shalt  }
0x67: {  	_ =	shalt  }
0x68: {  	_ =	shalt  }
0x69: {  	_ =	shalt  }
0x6a: {  	_ =	shalt  }
0x6b: {  	_ =	shalt  }
0x6c: {  	_ =	shalt  }
0x6d: {  	_ =	shalt  }
0x6e: {  	_ =	shalt  }
0x6f: {  	_ =	shalt  }
0x70: {  	_ =	shalt  }
0x71: {  	_ =	shalt  }
0x72: {  	_ =	shalt  }
0x73: {  	_ =	shalt  }
0x74: {  	_ =	shalt  }
0x75: {  	_ =	shalt  }
0x76: {  	_ =	shalt  }
0x77: {  	_ =	shalt  }
0x78: {  	_ =	shalt  }
0x79: {  	_ =	shalt  }
0x7a: {  	_ =	shalt  }
0x7b: {  	_ =	shalt  }
0x7c: {  	_ =	shalt  }
0x7d: {  	_ =	shalt  }
0x7e: {  	_ =	shalt  }
0x7f: {  	_ =	shalt  }
0x80: {  	_ =	shalt  }
0x81: {  	_ =	shalt  }
0x82: {  	_ =	shalt  }
0x83: {  	_ =	shalt  }
0x84: {  	_ =	shalt  }
0x85: {  	_ =	shalt  }
0x86: {  	_ =	shalt  }
0x87: {  	_ =	shalt  }
.Lfunc_end0:
.L_simem_size_0:
called_computation_lowered:
.L_overlay_start_0:
0x88: {  	s2 =	sld [smem:$0x3FD9]  }
0x89: {  	s3 =	sld [smem:$0x3FFE];
	_ =	sdelay $0x1  }
0x8a: {  	s1 =	srdreg.scid  }
0x8b: {  	s0 =	sand.u32 $0x1, s1  }
0x8c: {  	s17 =	sshll.u32 s0, $0xA;
	s2 =	sadd.s32 s3, s2  }
0x8d: {  	s2 =	sadd.s32 s2, s17  }
0x8e: {  	[smem:$0x3FC2] =	sst s2  }
0x8f: {  	_ = 	snop  }
0x90: {  	s2 =	sld [smem:$0x3FD0];
	(tm) =	ssettm $0x1  }
0x91: {  	s18 =	sld [smem:$0x3FFB];
	_ =	sdelay $0x3  }
0x92: {  	_ =	strace s18  }
0x93: {  	s3 =	sld [smem:$0x3FFC];
	_ =	sdelay $0x3  }
0x94: {  	_ =	strace s3  }
0x95: {  	s3 =	sld [smem:$0x3FFD];
	_ =	sdelay $0x3  }
0x96: {  	_ =	strace s3  }
0x97: {  	_ =	strace $0x8FFFFFFF  }
0x98: {  	s19 =	sld [smem:$0x3FDB];
	_ =	sdelay $0x1  }
0x99: {  	s4 =	simm.s32 $_scs_section_size  }
0x9a: {  	s5 =	simm.s32 $_size__tile_overlayer_lowered;
	s6 =	simm.s32 $_tile_overlayer_lowered  }
0x9b: {  	s22 =	simm.s32 $0x1BFF;
	s21 =	sshll.u32 s6, $0x1;
	s3 =	sadd.s32 s4, s19  }
0x9c: {  	s7 =	simm.s32 $0x0;
	s20 =	sshll.u32 s5, $0x1;
	s5 =	sadd.s32 s21, s3  }
0x9d: {  	[timem:s7], [sflag:s22] =	dma.local [hbm:s5], s20  }
0x9e: {  	_ =	swait.ge [sflag:s22], s20  }
0x9f: {  	s4 =	ssub.s32 $0x0, s20;
	[sflag:s22] =	ssyncset.done $0x0  }
0xa0: {  	[sflag:s22] =	ssyncadd.s32 s4;
	_ =	sdelay $0x1  }
0xa1: {  	s23 =	simm.s32 $0x1B8B  }
0xa2: {  	_ =	swait.ge [sflag:s23], $0x1  }
0xa3: {  	[sflag:s23] =	ssyncset.done $0x0  }
0xa4: {  	s25 =	simm.s32 $0x1B8E;
	s24 =	sld [smem:$0x3FFE];
	[sflag:s23] =	ssyncadd.s32 $0xFFFFFFFF  }
0xa5: {  	s26 =	simm.s32 $execute0_lowered;
	[smem:$0x3FD2] =	sst s25  }
0xa6: {  	s5 =	sshll.u32 s26, $0x1;
	_ =	strace $0x80000046;
	[dreg:$0x1] =	wrdreg $0xFFFFFFFF  }
0xa7: {  	s28 =	simm.s32 $_size_execute0_lowered;
	s3 =	sadd.s32 s3, s5;
	[dreg:$0x0] =	wrdreg $0x0  }
0xa8: {  	s5 =	sshll.u32 s28, $0x1;
	[dreg:$0x2] =	wrdreg s3  }
0xa9: {  	[dreg:$0x3] =	wrdreg s5  }
0xaa: {  	[dreg:$0x4] =	wrdreg $0xC0  }
0xab: {  	_ =	task [dreg:s7], $0x5FFFF  }
0xac: {  	[dreg:$0x1] =	wrdreg $0xFFFFFFFF  }
0xad: {  	[dreg:$0x0] =	wrdreg $0x60  }
0xae: {  	[dreg:$0x2] =	wrdreg s24  }
0xaf: {  	[dreg:$0x3] =	wrdreg s2  }
0xb0: {  	[dreg:$0x4] =	wrdreg $0x50800  }
0xb1: {  	[dreg:$0x5] =	wrdreg $0x9  }
0xb2: {  	_ =	task.clear_ibuf [dreg:s7], $0x6FFFF;
	_ =	strace $0x90000046  }
0xb3: {  	s29 =	simm.s32 $0x9;
	_ =	strace $0x80000048  }
0xb4: {  	_ =	swait.ge [sflag:s29], $0x1  }
0xb5: {  	[sflag:s29] =	ssyncadd.s32 $0xFFFFFFFF  }
0xb6: {  	_ =	strace $0x90000048  }
0xb7: {  	_ =	sfence  }
0xb8: {  	s30 =	sld [smem:$0x0];
	_ =	sdelay $0x2  }
0xb9: {  	s31 =	sshll.u32 s1, $0xD;
	s1 =	sshrl.u32 s1, $0x2  }
0xba: {  	s3 =	sand.u32 $0x4000, s31;
	s1 =	sadd.s32 s1, s30  }
0xbb: {  	s0 =	sor.u32 s3, s0;
	s1 =	sshll.u32 s1, $0x11  }
0xbc: {  	s0 =	sor.u32 s1, s0  }
0xbd: {  	s0 =	sadd.s32 $0x8F2B, s0  }
0xbe: {  	[sflag:s0] =	ssyncadd.remote.s32 $0x1  }
0xbf: {  	_ =	sfence.sel $0xFFFF  }
0xc0: {  	[dreg:$0x0] =	wrdreg $0xFFFFFFFF;
	(pc) =	sbr.abs _section_cstart, $3  }
0xc1: {  	[dreg:$0x1] =	wrdreg $0xFFFFFFFF  }
0xc2: {  	_ =	task.clear_ibuf [dreg:s7], $0x2FFFF;
	_ =	strace $0x9FFFFFFF  }
0xc3: {  	(tm) =	ssettm $0x7FFFFFFF  }
tec
execute0_lowered:
.L_overlay_start_1:
0x0: {  	(tag) =	ssettag $0x1  }
0x1: {  	s0 =	srdreg.scid;
	s4 =	rddreg [dreg:$0x0]  }
0x2: {  	s1 =	rddreg [dreg:$0x1];
	s6 =	stileid.u32  }
0x3: {  	s2 =	rddreg [dreg:$0x2];
	s3 =	simm.s32 $0x0;
	s10 =	simm.s32 $0x5000  }
0x4: {  	s11 =	simm.s32 $0x80;
	s12 =	simm.s32 $0x1;
	s13 =	simm.s32 $0x2  }
0x5: {  	s14 =	simm.s32 $0x0;
	s5 =	sand.u32 $0x1, s0;
	[smem:$0x7FF] =	sst s3  }
0x6: {  	p0 =	sne.s32 s6, $0x0;
	s0 =	sshll.u32 s5, $0x4;
	s8 =	smul.u32 $0x4E2, s5  }
0x7: {  	s5 =	ssub.s32 $0x2, s5;
	s7 =	sor.u32 s6, s0;
	s0 =	rddreg [dreg:$0x3]  }
0x8: {  	s9 =	sshrl.u32 s5, $0x1;
	s7 =	smul.u32 $0xA00, s7;
	s8 =	sadd.s32 s8, s4  }
0x9: {  	_ =	strace $0x80000047;
	s9 =	ssub.s32 s5, s9;
	s5 =	sadd.s32 $0x15800, s8  }
0xa: {  	s6 =	smax.u32 s9, $0x1;
	s8 =	sshrl.u32 @!p0 s2, $0x3;
	s7 =	sadd.s32 s7, s4  }
0xb: {  	v0 =	vimm.f32 $1.000000000e+00;
	s9 =	simm.s32 $0x7D;
	s4 =	sadd.s32 $0x1800, s7;
	s7 =	simm.s32 $0x3  }
.LBB2_1:
0xc: {  	[tilespmem:s3], [sflag:$0x3] =	stream.linear.gather [hbm4b:s4+s3], $0x5000, $0x38;
	[tilespmem:$0x52F8] =	vst v63  }
0xd: {  	_ =	swait.ge [sflag:s7], $0x5000  }
0xe: {  	[sflag:s7] =	ssyncset.done $0x0  }
0xf: {  	[sflag:s7] =	ssyncadd.s32 $0xFFFFB000  }
0x10: {  	[tilespmem:$0x5000] =	vst v0  }
0x11: {  	[tilespmem:$0x5010] =	vst v0  }
0x12: {  	[tilespmem:$0x5020] =	vst v0  }
0x13: {  	[tilespmem:$0x5030] =	vst v0  }
0x14: {  	[tilespmem:$0x5040] =	vst v0  }
0x15: {  	[tilespmem:$0x5050] =	vst v0  }
0x16: {  	[tilespmem:$0x5060] =	vst v0  }
0x17: {  	s15 =	simm.s32 @!p0 $0x1C03;
	[tilespmem:$0x5070] =	vst v0  }
0x18: {  	[spmem:s8], [sflag:s15] =	dma.local @!p0 [hbm:s1], $0x4E2  }
0x19: {  	s15 =	simm.s32 @!p0 $0x3  }
0x1a: {  	_ =	swait.ge @!p0 [sflag:s15], $0x4E2  }
0x1b: {  	[sflag:s15] =	ssyncset.done @!p0 $0x0  }
0x1c: {  	[sflag:s15] =	ssyncadd.s32 @!p0 $0xFFFFFB1E  }
0x1d: {  	[bflag:$0x0] =	sbarrier.arrive $0xFFFF  }
0x1e: {  	[spmem:s2] =	stream.indirect.scatter.add.f32 [tilespmem:s10], [sflag:$0x1], $0x1, s3, s9, $0xb8;
	[tilespmem:$0x52F8] =	vst v63  }
0x1f: {  	_ = 	snop  }
0x20: {  	[spmem:s2] =	stream.indirect.scatter.add.f32 [tilespmem:s10], [sflag:$0x2], $0x1, s11, s9, $0xb8;
	[tilespmem:$0x52F8] =	vst v63  }
0x21: {  	_ =	swait.ge [sflag:s12], $0x7D  }
0x22: {  	[sflag:s12] =	ssyncset.done $0x0  }
0x23: {  	s31 =	simm.s32 $0x100;
	[sflag:s12] =	ssyncadd.s32 $0xFFFFFF83  }
0x24: {  	[spmem:s2] =	stream.indirect.scatter.add.f32 [tilespmem:s10], [sflag:$0x1], $0x1, s31, s9, $0xb8;
	[tilespmem:$0x52F8] =	vst v63  }
0x25: {  	_ =	swait.ge [sflag:s13], $0x7D  }
0x26: {  	[sflag:s13] =	ssyncset.done $0x0  }
0x27: {  	s16 =	simm.s32 $0x180;
	s15 =	simm.s32 $0xFFFEC800;
	[sflag:s13] =	ssyncadd.s32 $0xFFFFFF83  }
.LBB2_2:
0x28: {  	[spmem:s2] =	stream.indirect.scatter.add.f32 [tilespmem:s10], [sflag:$0x2], $0x1, s16, s9, $0xb8;
	[tilespmem:$0x52F8] =	vst v63  }
0x29: {  	s16 =	smov.u32 s15  }
0x2a: {  	p1 =	sne.s32 s15, $0xFFFFFC00;
	s15 =	sadd.s32 $0x400, s15;
	_ =	swait.ge [sflag:s12], $0x7D  }
0x2b: {  	s16 =	sshra.s32 s16, $0x2;
	[sflag:s12] =	ssyncset.done $0x0  }
.Ltmp0:
0x2c: {  	s17 =	sadd.s32 $0x5000, s16;
	[sflag:s12] =	ssyncadd.s32 $0xFFFFFF83;
	(pc) =	sbr.rel @p1 .LBB2_2-.Ltmp0, $4  }
0x2d: {  	[spmem:s2] =	stream.indirect.scatter.add.f32 [tilespmem:s10], [sflag:$0x1], $0x1, s17, s9, $0xb8;
	[tilespmem:$0x52F8] =	vst v63  }
0x2e: {  	_ =	swait.ge [sflag:s13], $0x7D  }
0x2f: {  	[sflag:s13] =	ssyncset.done $0x0  }
0x30: {  	s16 =	sadd.s32 $0x5080, s16;
	[sflag:s13] =	ssyncadd.s32 $0xFFFFFF83  }
0x31: {  	[spmem:s2] =	stream.indirect.scatter.add.f32 [tilespmem:s10], [sflag:$0x2], $0x1, s16, s9, $0xb8;
	[tilespmem:$0x52F8] =	vst v63  }
0x32: {  	_ =	swait.ge [sflag:s12], $0x7D  }
0x33: {  	[sflag:s12] =	ssyncset.done $0x0  }
0x34: {  	[sflag:s12] =	ssyncadd.s32 $0xFFFFFF83  }
0x35: {  	_ =	swait.ge [sflag:s13], $0x7D  }
0x36: {  	[sflag:s13] =	ssyncset.done $0x0  }
0x37: {  	s14 =	sadd.s32 $0x1, s14;
	[sflag:s13] =	ssyncadd.s32 $0xFFFFFF83  }
0x38: {  	s15 =	simm.s32 @!p0 $0x1C03;
	p1 =	sne.s32 s14, s6;
	[bflag:$0x0] =	sbarrier.arrive $0xFFFF  }
0x39: {  	[hbm:s5], [sflag:s15] =	dma.local @!p0 [spmem:s8], $0x4E2  }
.Ltmp1:
0x3a: {  	_ = 	snop;
	(pc) =	sbr.rel @p1 .LBB2_1-.Ltmp1, $4  }
0x3b: {  	s15 =	simm.s32 @!p0 $0x3  }
0x3c: {  	_ =	swait.ge @!p0 [sflag:s15], $0x4E2  }
0x3d: {  	[sflag:s15] =	ssyncset.done @!p0 $0x0  }
0x3e: {  	[sflag:s15] =	ssyncadd.s32 @!p0 $0xFFFFFB1E  }
0x3f: {  	_ =	sfence.sel $0x180000  }
0x40: {  	[bflag:$0x0] =	sbarrier.arrive $0xFFFF  }
0x41: {  	_ =	strace $0x90000047  }
0x42: {  	s0 =	sadd.s32 @!p0 $0x100000, s0;
	[bflag:$0x2] =	sbarrier.arrive $0xFFFF  }
0x43: {  	[sflag:s0] =	ssyncadd.tile.s32 @!p0 $0x1;
	_ =	shalt  }
.Lfunc_end2:
_tile_overlayer_lowered:
.L_overlay_start_2:
0x44: {  	(tag) =	ssettag $0x2  }
0x45: {  	s0 =	rddreg [dreg:$0x0];
	s2 =	stileid.u32  }
0x46: {  	s1 =	rddreg [dreg:$0x1];
	p0 =	sne.s32 s2, $0x0  }
0x47: {  	s3 =	rddreg [dreg:$0x2];
	[bflag:$0x3] =	sbarrier.arrive $0xFFFF;
	s2 =	simm.s32 @!p0 $0x1C03  }
0x48: {  	[timem:s3], [sflag:s2] =	dma.local @!p0 [hbm:s0], s1  }
0x49: {  	s0 =	simm.s32 @!p0 $0x3  }
0x4a: {  	_ =	swait.ge @!p0 [sflag:s0], s1  }
0x4b: {  	s1 =	ssub.s32 @!p0 $0x0, s1;
	[sflag:s0] =	ssyncset.done @!p0 $0x0  }
0x4c: {  	[sflag:s0] =	ssyncadd.s32 @!p0 s1  }
0x4d: {  	[bflag:$0x3] =	sbarrier.arrive $0xFFFF  }
0x4e: {  	_ =	shalt  }

// kernel: kernel.9.cloned.1.call-start
scs
__scs_entry_jumppad:
0x0: {  	(pc) =	sbr.rel $0x88, $3  }
0x1: {  	(tag) =	ssettag $0x0;
	lr =	simm.s32 $0x1  }
0x2: {  	[smem:$0x3F9B] =	sst lr;
	_ =	strace $0xD0000000  }
0x3: {  	_ = 	snop  }
0x4: {  	_ = 	snop  }
0x5: {  	_ = 	snop  }
0x6: {  	_ = 	snop  }
0x7: {  	_ = 	snop  }
__scs_overlays_trampoline_lowered:
0x8: {  	[smem:$0x3FAA] =	sst s0  }
0x9: {  	[smem:$0x3FAB] =	sst s1  }
0xa: {  	[smem:$0x3FAC] =	sst s2  }
0xb: {  	[smem:$0x3FAD] =	sst s3  }
0xc: {  	[smem:$0x3FAE] =	sst s4  }
0xd: {  	[smem:$0x3FAF] =	sst s5  }
0xe: {  	[smem:$0x3FB0] =	sst s6  }
0xf: {  	[smem:$0x3FB1] =	sst s7  }
0x10: {  	[smem:$0x3FB2] =	sst s8  }
0x11: {  	[smem:$0x3FB3] =	sst s9;
	s0 =	simm.s32 @!p0 $0x0  }
0x12: {  	s1 =	sld [smem:$0x3F99];
	s0 =	simm.s32 @p0 $0x1  }
0x13: {  	[smem:$0x3FB4] =	sst s0;
	s0 =	simm.s32 @!p1 $0x0  }
0x14: {  	s2 =	sld [smem:$0x3F98];
	s0 =	simm.s32 @p1 $0x1  }
0x15: {  	[smem:$0x3FB5] =	sst s0;
	s0 =	simm.s32 @!p2 $0x0  }
0x16: {  	s3 =	sld [smem:$0x3FDB];
	s0 =	simm.s32 @p2 $0x1  }
0x17: {  	s4 =	simm.s32 $0x1BF5;
	[smem:$0x3FB7] =	sst s0  }
0x18: {  	s0 =	sld [smem:$0x3F9A];
	_ =	swait.ge [sflag:s4], $0x0  }
0x19: {  	s7 =	sld [smem:$0x3F9B]  }
0x1a: {  	s8 =	sadd.s32 $0xFFFFE003, lr  }
0x1b: {  	s9 =	sadd.s32 $0xFFFFFEF7, lr;
	s5 =	simm.s32 $0xFFFFFFFF;
	p2 =	slt.u32 s8, $0xFFFFF086  }
0x1c: {  	p1 =	slt.u32 s9, $0xF7A;
	s5 =	simm.s32 @!p2 $0x0  }
0x1d: {  	s5 =	simm.s32 @p1 $0x1;
	p0 =	seq.s32 s7, s2  }
0x1e: {  	s7 =	smul.u32 @!p0 $0xF7A, s2;
	p2 =	seq.s32 @!p0 s5, $0x0  }
0x1f: {  	s9 =	smul.u32 $0xF7A, s1;
	s8 =	simm.s32 @!p0 $0x1BF5;
	p2 =	por !p2, p0  }
0x20: {  	[sflag:s8] =	ssyncset.s32 @!p0 $0xFFFFF086;
	s6 =	sadd.s32 @!p0 s3, s7;
	s7 =	simm.s32 @!p0 $0x108  }
0x21: {  	s3 =	sadd.s32 s3, s9;
	s6 =	sadd.s32 @!p0 $0x88, s6;
	s7 =	simm.s32 @p2 $0x1082  }
0x22: {  	[simem:s7], [sflag:s8] =	dma.local @!p0 [hbm:s6], $0xF7A  }
0x23: {  	s9 =	sor.u32 $0xD0000000, s2;
	s6 =	simm.s32 $0x108;
	_ =	swait.ge @!p0 [sflag:s8], $0x0  }
0x24: {  	s3 =	sadd.s32 $0x88, s3;
	s6 =	simm.s32 @!p1 $0x1082;
	[sflag:s4] =	ssyncset.s32 $0xFFFFF086  }
0x25: {  	[simem:s6], [sflag:s4] =	dma.local [hbm:s3], $0xF7A  }
0x26: {  	[smem:$0x3F9B] =	sst s1;
	(tag) =	ssettag s2;
	_ =	strace s9  }
0x27: {  	s1 =	sld [smem:$0x3FAB]  }
0x28: {  	s2 =	sld [smem:$0x3FAC]  }
0x29: {  	s4 =	sld [smem:$0x3FAE]  }
0x2a: {  	p0 =	seq.s32 s5, $0x0;
	s5 =	sld [smem:$0x3FAF]  }
0x2b: {  	s6 =	sld [smem:$0x3FB0]  }
0x2c: {  	s7 =	sld [smem:$0x3FB1]  }
0x2d: {  	s3 =	simm.s32 $0x108;
	s8 =	sld [smem:$0x3FB2]  }
0x2e: {  	s3 =	simm.s32 @!p0 $0x1082;
	s9 =	sld [smem:$0x3FB3]  }
0x2f: {  	lr =	sadd.s32 s0, s3;
	s0 =	sld [smem:$0x3FAA]  }
0x30: {  	s3 =	sld [smem:$0x3FAD]  }
0x31: {  	[smem:$0x3FB6] =	sst s10  }
0x32: {  	s10 =	sld [smem:$0x3FB4];
	_ =	sdelay $0x3  }
0x33: {  	p0 =	seq.s32 s10, $0x1;
	s10 =	sld [smem:$0x3FB6];
	_ =	sdelay $0x3  }
0x34: {  	[smem:$0x3FB6] =	sst s10  }
0x35: {  	s10 =	sld [smem:$0x3FB5];
	_ =	sdelay $0x3  }
0x36: {  	p1 =	seq.s32 s10, $0x1;
	s10 =	sld [smem:$0x3FB6];
	_ =	sdelay $0x3  }
0x37: {  	[smem:$0x3FB6] =	sst s10  }
0x38: {  	s10 =	sld [smem:$0x3FB7]  }
0x39: {  	_ = 	snop;
	(pc) =	sbr.ind lr, $3  }
0x3a: {  	_ = 	snop  }
0x3b: {  	_ = 	snop  }
0x3c: {  	p2 =	seq.s32 s10, $0x1;
	s10 =	sld [smem:$0x3FB6]  }
0x3d: {  	_ =	shalt  }
0x3e: {  	_ =	shalt  }
0x3f: {  	_ =	shalt  }
0x40: {  	_ =	shalt  }
0x41: {  	_ =	shalt  }
0x42: {  	_ =	shalt  }
0x43: {  	_ =	shalt  }
0x44: {  	_ =	shalt  }
0x45: {  	_ =	shalt  }
0x46: {  	_ =	shalt  }
0x47: {  	_ =	shalt  }
0x48: {  	_ =	shalt  }
0x49: {  	_ =	shalt  }
0x4a: {  	_ =	shalt  }
0x4b: {  	_ =	shalt  }
0x4c: {  	_ =	shalt  }
0x4d: {  	_ =	shalt  }
0x4e: {  	_ =	shalt  }
0x4f: {  	_ =	shalt  }
0x50: {  	_ =	shalt  }
0x51: {  	_ =	shalt  }
0x52: {  	_ =	shalt  }
0x53: {  	_ =	shalt  }
0x54: {  	_ =	shalt  }
0x55: {  	_ =	shalt  }
0x56: {  	_ =	shalt  }
0x57: {  	_ =	shalt  }
0x58: {  	_ =	shalt  }
0x59: {  	_ =	shalt  }
0x5a: {  	_ =	shalt  }
0x5b: {  	_ =	shalt  }
0x5c: {  	_ =	shalt  }
0x5d: {  	_ =	shalt  }
0x5e: {  	_ =	shalt  }
0x5f: {  	_ =	shalt  }
0x60: {  	_ =	shalt  }
0x61: {  	_ =	shalt  }
0x62: {  	_ =	shalt  }
0x63: {  	_ =	shalt  }
0x64: {  	_ =	shalt  }
0x65: {  	_ =	shalt  }
0x66: {  	_ =	shalt  }
0x67: {  	_ =	shalt  }
0x68: {  	_ =	shalt  }
0x69: {  	_ =	shalt  }
0x6a: {  	_ =	shalt  }
0x6b: {  	_ =	shalt  }
0x6c: {  	_ =	shalt  }
0x6d: {  	_ =	shalt  }
0x6e: {  	_ =	shalt  }
0x6f: {  	_ =	shalt  }
0x70: {  	_ =	shalt  }
0x71: {  	_ =	shalt  }
0x72: {  	_ =	shalt  }
0x73: {  	_ =	shalt  }
0x74: {  	_ =	shalt  }
0x75: {  	_ =	shalt  }
0x76: {  	_ =	shalt  }
0x77: {  	_ =	shalt  }
0x78: {  	_ =	shalt  }
0x79: {  	_ =	shalt  }
0x7a: {  	_ =	shalt  }
0x7b: {  	_ =	shalt  }
0x7c: {  	_ =	shalt  }
0x7d: {  	_ =	shalt  }
0x7e: {  	_ =	shalt  }
0x7f: {  	_ =	shalt  }
0x80: {  	_ =	shalt  }
0x81: {  	_ =	shalt  }
0x82: {  	_ =	shalt  }
0x83: {  	_ =	shalt  }
0x84: {  	_ =	shalt  }
0x85: {  	_ =	shalt  }
0x86: {  	_ =	shalt  }
0x87: {  	_ =	shalt  }
.Lfunc_end0:
.L_simem_size_0:
called_computation.1_lowered:
.L_overlay_start_0:
0x88: {  	s2 =	sld [smem:$0x3FD9]  }
0x89: {  	s3 =	sld [smem:$0x3FFE];
	_ =	sdelay $0x1  }
0x8a: {  	s1 =	srdreg.scid  }
0x8b: {  	s0 =	sand.u32 $0x1, s1  }
0x8c: {  	s16 =	sshll.u32 s0, $0xA;
	s2 =	sadd.s32 s3, s2  }
0x8d: {  	s2 =	sadd.s32 s2, s16  }
0x8e: {  	[smem:$0x3FC2] =	sst s2  }
0x8f: {  	_ = 	snop  }
0x90: {  	(tm) =	ssettm $0x1  }
0x91: {  	s17 =	sld [smem:$0x3FFB];
	_ =	sdelay $0x3  }
0x92: {  	_ =	strace s17  }
0x93: {  	s2 =	sld [smem:$0x3FFC];
	_ =	sdelay $0x3  }
0x94: {  	_ =	strace s2  }
0x95: {  	s2 =	sld [smem:$0x3FFD];
	_ =	sdelay $0x3  }
0x96: {  	_ =	strace s2  }
0x97: {  	_ =	strace $0x8FFFFFFF  }
0x98: {  	s18 =	sld [smem:$0x3FDB];
	_ =	sdelay $0x1  }
0x99: {  	s19 =	simm.s32 $_scs_section_size  }
0x9a: {  	s4 =	simm.s32 $_size__tile_overlayer_lowered;
	s5 =	simm.s32 $_tile_overlayer_lowered  }
0x9b: {  	s22 =	simm.s32 $0x1BFF;
	s21 =	sshll.u32 s5, $0x1;
	s2 =	sadd.s32 s19, s18  }
0x9c: {  	s6 =	simm.s32 $0x0;
	s20 =	sshll.u32 s4, $0x1;
	s4 =	sadd.s32 s21, s2  }
0x9d: {  	[timem:s6], [sflag:s22] =	dma.local [hbm:s4], s20  }
0x9e: {  	_ =	swait.ge [sflag:s22], s20  }
0x9f: {  	s3 =	ssub.s32 $0x0, s20;
	[sflag:s22] =	ssyncset.done $0x0  }
0xa0: {  	[sflag:s22] =	ssyncadd.s32 s3;
	_ =	sdelay $0x1  }
0xa1: {  	s23 =	simm.s32 $0x1B8B  }
0xa2: {  	_ =	swait.ge [sflag:s23], $0x1  }
0xa3: {  	[sflag:s23] =	ssyncset.done $0x0  }
0xa4: {  	s25 =	simm.s32 $0x1B8E;
	s24 =	sld [smem:$0x3FFE];
	[sflag:s23] =	ssyncadd.s32 $0xFFFFFFFF  }
0xa5: {  	s26 =	simm.s32 $execute0_lowered;
	[smem:$0x3FD2] =	sst s25  }
0xa6: {  	s4 =	sshll.u32 s26, $0x1;
	_ =	strace $0x80000049;
	[dreg:$0x1] =	wrdreg $0xFFFFFFFF  }
0xa7: {  	s28 =	simm.s32 $_size_execute0_lowered;
	s2 =	sadd.s32 s2, s4;
	[dreg:$0x0] =	wrdreg $0x0  }
0xa8: {  	s4 =	sshll.u32 s28, $0x1;
	[dreg:$0x2] =	wrdreg s2  }
0xa9: {  	[dreg:$0x3] =	wrdreg s4  }
0xaa: {  	[dreg:$0x4] =	wrdreg $0xC0  }
0xab: {  	_ =	task [dreg:s6], $0x5FFFF  }
0xac: {  	[dreg:$0x1] =	wrdreg $0xFFFFFFFF  }
0xad: {  	[dreg:$0x0] =	wrdreg $0x60  }
0xae: {  	[dreg:$0x2] =	wrdreg s24  }
0xaf: {  	[dreg:$0x3] =	wrdreg $0x6F400  }
0xb0: {  	[dreg:$0x4] =	wrdreg $0xBD600  }
0xb1: {  	[dreg:$0x5] =	wrdreg $0x10B800  }
0xb2: {  	[dreg:$0x6] =	wrdreg $0x159A00  }
0xb3: {  	[dreg:$0x7] =	wrdreg $0x9  }
0xb4: {  	_ =	task.clear_ibuf [dreg:s6], $0x8FFFF;
	_ =	strace $0x90000049  }
0xb5: {  	s29 =	simm.s32 $0x9;
	_ =	strace $0x8000004B  }
0xb6: {  	_ =	swait.ge [sflag:s29], $0x1  }
0xb7: {  	[sflag:s29] =	ssyncadd.s32 $0xFFFFFFFF  }
0xb8: {  	_ =	strace $0x9000004B  }
0xb9: {  	_ =	sfence  }
0xba: {  	s30 =	sld [smem:$0x0];
	_ =	sdelay $0x2  }
0xbb: {  	s31 =	sshll.u32 s1, $0xD;
	s1 =	sshrl.u32 s1, $0x2  }
0xbc: {  	s3 =	sand.u32 $0x4000, s31;
	s1 =	sadd.s32 s1, s30  }
0xbd: {  	s0 =	sor.u32 s3, s0;
	s1 =	sshll.u32 s1, $0x11  }
0xbe: {  	s0 =	sor.u32 s1, s0  }
0xbf: {  	s0 =	sadd.s32 $0x8F2B, s0  }
0xc0: {  	[sflag:s0] =	ssyncadd.remote.s32 $0x1  }
0xc1: {  	_ =	sfence.sel $0xFFFF  }
0xc2: {  	[dreg:$0x0] =	wrdreg $0xFFFFFFFF;
	(pc) =	sbr.abs _section_cstart, $3  }
0xc3: {  	[dreg:$0x1] =	wrdreg $0xFFFFFFFF  }
0xc4: {  	_ =	task.clear_ibuf [dreg:s6], $0x2FFFF;
	_ =	strace $0x9FFFFFFF  }
0xc5: {  	(tm) =	ssettm $0x7FFFFFFF  }
tec
execute0_lowered:
.L_overlay_start_1:
0x0: {  	(tag) =	ssettag $0x1  }
0x1: {  	s0 =	rddreg [dreg:$0x0]  }
0x2: {  	s1 =	rddreg [dreg:$0x1]  }
0x3: {  	s2 =	rddreg [dreg:$0x2]  }
0x4: {  	s3 =	rddreg [dreg:$0x3]  }
0x5: {  	s4 =	rddreg [dreg:$0x4];
	s5 =	simm.s32 $0x0;
	s6 =	srdreg.scid  }
0x6: {  	s20 =	stileid.u32;
	s31 =	simm.s32 $0x2800;
	s21 =	simm.s32 $0x4F00  }
0x7: {  	s22 =	simm.s32 $0x4F80;
	[smem:$0x7FF] =	sst s5;
	s6 =	sand.u32 $0x1, s6  }
0x8: {  	s7 =	sadd.s32 $0x34000, s0;
	s8 =	sadd.s32 $0x20000, s0;
	s13 =	smul.u32 $0x9C00, s20  }
0x9: {  	s9 =	sadd.s32 $0x1800, s0;
	s10 =	sadd.s32 $0xB600, s0;
	s14 =	sadd.s32 $0x16200, s0  }
0xa: {  	s0 =	sadd.s32 $0x48000, s0;
	p1 =	sgt.s32 s20, $0x1;
	p2 =	seq.s32 s20, $0x0  }
0xb: {  	p3 =	seq.s32 s20, $0xF;
	p4 =	seq.s32 s20, $0x1;
	p5 =	seq.s32 s20, $0x2  }
0xc: {  	p6 =	seq.s32 s20, $0x3;
	_ =	strace $0x8000004A;
	s11 =	smul.u32 $0x271000, s6  }
0xd: {  	s12 =	ssub.s32 $0x2, s6;
	p0 =	sne.s32 s6, $0x0;
	s6 =	simm.s32 @!p4 $0x0  }
0xe: {  	[dreg:$0x6] =	wrdreg s14;
	s24 =	sshrl.u32 s12, $0x1;
	s6 =	simm.s32 @p4 $0x1  }
0xf: {  	s15 =	sadd.s32 s13, s11;
	s14 =	ssub.s32 s12, s24;
	s13 =	sshrl.u32 s13, $0x1  }
0x10: {  	s11 =	sshrl.u32 s11, $0x4;
	[smem:$0x7FD] =	sst s6;
	s25 =	sshrl.u32 s15, $0x4  }
0x11: {  	s15 =	sadd.s32 s13, s1;
	s16 =	sadd.s32 s13, s2;
	s26 =	smax.u32 s14, $0x1  }
0x12: {  	s14 =	simm.s32 $0x5FA0;
	s12 =	sadd.s32 s0, s25;
	s0 =	sadd.s32 s0, s11  }
0x13: {  	s11 =	sadd.s32 s13, s3;
	s13 =	sadd.s32 s13, s4;
	[dreg:$0xb] =	wrdreg s26  }
0x14: {  	s26 =	smul.u32 $0xA000, s20;
	s20 =	simm.s32 $0x2780;
	s17 =	sadd.s32 $0x9240, s0  }
0x15: {  	s18 =	sadd.s32 $0x12E80, s0;
	s19 =	sadd.s32 $0x1CAC0, s0;
	[dreg:$0x7] =	wrdreg s17  }
0x16: {  	s0 =	sadd.s32 $0x26700, s0;
	s28 =	sadd.s32 $0x9C40, s12;
	[dreg:$0x8] =	wrdreg s18  }
0x17: {  	s29 =	sadd.s32 $0x13880, s12;
	s30 =	sadd.s32 $0x1D4C0, s12;
	[dreg:$0x9] =	wrdreg s19  }
0x18: {  	s17 =	sadd.s32 $0x49200, s1;
	s18 =	sadd.s32 $0x49200, s2;
	[dreg:$0xa] =	wrdreg s0  }
0x19: {  	s19 =	sadd.s32 $0x49200, s3;
	s0 =	sadd.s32 $0x49200, s4;
	[dreg:$0x14] =	wrdreg s28  }
0x1a: {  	[dreg:$0x15] =	wrdreg s29;
	s6 =	sshrl.u32 @p3 s17, $0x3;
	s0 =	sshrl.u32 @p3 s0, $0x3  }
0x1b: {  	s17 =	simm.s32 $0x4E00;
	[dreg:$0xc] =	wrdreg s6;
	s6 =	sshrl.u32 @p3 s18, $0x3  }
0x1c: {  	[dreg:$0xf] =	wrdreg s0;
	s0 =	sshrl.u32 @!p3 s15, $0x3;
	s15 =	simm.s32 $0x1  }
0x1d: {  	s18 =	simm.s32 $0x2700;
	[dreg:$0xd] =	wrdreg s6;
	s6 =	sshrl.u32 @p3 s19, $0x3  }
.Ltmp0:
0x1e: {  	[dreg:$0x10] =	wrdreg s0;
	s0 =	sshrl.u32 @!p3 s16, $0x3;
	(pc) =	sbr.rel .LBB2_1-.Ltmp0, $4  }
0x1f: {  	s16 =	simm.s32 $0x2;
	s19 =	simm.s32 $0x4E80;
	[dreg:$0xe] =	wrdreg s6  }
0x20: {  	[dreg:$0x11] =	wrdreg s0;
	s0 =	sshrl.u32 @!p3 s11, $0x3;
	s11 =	simm.s32 $0x7D  }
0x21: {  	s6 =	simm.s32 $0x5000;
	[dreg:$0x12] =	wrdreg s0;
	s0 =	sshrl.u32 @!p3 s13, $0x3  }
0x22: {  	s13 =	simm.s32 $0x80;
	[dreg:$0x13] =	wrdreg s0;
	s0 =	simm.s32 $0x3  }
.LBB2_22:
0x23: {  	[bflag:$0x0] =	sbarrier.arrive $0xFFFF  }
0x24: {  	s24 =	rddreg [dreg:$0x7]  }
0x25: {  	s23 =	simm.s32 @p3 $0x1FC3;
	s25 =	rddreg [dreg:$0xc]  }
0x26: {  	[hbm:s24], [sflag:s23] =	dma.local @p3 [spmem:s25], $0xA00  }
0x27: {  	s24 =	simm.s32 @p3 $0x3  }
0x28: {  	_ =	swait.ge @p3 [sflag:s24], $0xA00  }
0x29: {  	[sflag:s24] =	ssyncset.done @p3 $0x0;
	s25 =	rddreg [dreg:$0x8]  }
0x2a: {  	s28 =	rddreg [dreg:$0xd];
	[sflag:s24] =	ssyncadd.s32 @p3 $0xFFFFF600  }
0x2b: {  	[hbm:s25], [sflag:s23] =	dma.local @p3 [spmem:s28], $0xA00  }
0x2c: {  	_ =	swait.ge @p3 [sflag:s24], $0xA00  }
0x2d: {  	[sflag:s24] =	ssyncset.done @p3 $0x0;
	s25 =	rddreg [dreg:$0x9]  }
0x2e: {  	s28 =	rddreg [dreg:$0xe];
	[sflag:s24] =	ssyncadd.s32 @p3 $0xFFFFF600  }
0x2f: {  	[hbm:s25], [sflag:s23] =	dma.local @p3 [spmem:s28], $0xA00  }
0x30: {  	_ =	swait.ge @p3 [sflag:s24], $0xA00  }
0x31: {  	[sflag:s24] =	ssyncset.done @p3 $0x0;
	s25 =	rddreg [dreg:$0xa]  }
0x32: {  	s28 =	rddreg [dreg:$0xf];
	[sflag:s24] =	ssyncadd.s32 @p3 $0xFFFFF600  }
0x33: {  	[hbm:s25], [sflag:s23] =	dma.local @p3 [spmem:s28], $0xA00  }
0x34: {  	s23 =	stileid.u32;
	_ =	swait.ge @p3 [sflag:s24], $0xA00  }
0x35: {  	s23 =	sshll.u32 @!p3 s23, $0x6;
	[sflag:s24] =	ssyncset.done @p3 $0x0  }
0x36: {  	s23 =	sor.u32 @!p3 $0x1C03, s23;
	[sflag:s24] =	ssyncadd.s32 @p3 $0xFFFFF600;
	s24 =	rddreg [dreg:$0x10]  }
0x37: {  	[hbm:s12], [sflag:s23] =	dma.local @!p3 [spmem:s24], $0x9C0  }
0x38: {  	s24 =	simm.s32 @!p3 $0x3  }
0x39: {  	_ =	swait.ge @!p3 [sflag:s24], $0x9C0  }
0x3a: {  	[sflag:s24] =	ssyncset.done @!p3 $0x0;
	s25 =	rddreg [dreg:$0x11]  }
0x3b: {  	s28 =	rddreg [dreg:$0x14];
	[sflag:s24] =	ssyncadd.s32 @!p3 $0xFFFFF640  }
0x3c: {  	[hbm:s28], [sflag:s23] =	dma.local @!p3 [spmem:s25], $0x9C0  }
0x3d: {  	_ =	swait.ge @!p3 [sflag:s24], $0x9C0  }
0x3e: {  	[sflag:s24] =	ssyncset.done @!p3 $0x0;
	s25 =	rddreg [dreg:$0x12]  }
0x3f: {  	s28 =	rddreg [dreg:$0x15];
	[sflag:s24] =	ssyncadd.s32 @!p3 $0xFFFFF640  }
0x40: {  	[hbm:s28], [sflag:s23] =	dma.local @!p3 [spmem:s25], $0x9C0  }
0x41: {  	_ =	swait.ge @!p3 [sflag:s24], $0x9C0  }
0x42: {  	[sflag:s24] =	ssyncset.done @!p3 $0x0  }
0x43: {  	s25 =	rddreg [dreg:$0x13];
	[sflag:s24] =	ssyncadd.s32 @!p3 $0xFFFFF640  }
0x44: {  	[hbm:s30], [sflag:s23] =	dma.local @!p3 [spmem:s25], $0x9C0  }
0x45: {  	_ =	swait.ge @!p3 [sflag:s24], $0x9C0  }
0x46: {  	s5 =	sadd.s32 $0x1, s5;
	s29 =	rddreg [dreg:$0xb]  }
0x47: {  	p4 =	sne.s32 s5, s29  }
.Ltmp1:
0x48: {  	_ = 	snop;
	(pc) =	sbr.rel @!p4 .LBB2_23-.Ltmp1, $3  }
0x49: {  	_ =	sdelay $0x1  }
0x4a: {  	[sflag:s24] =	ssyncset.done @!p3 $0x0  }
0x4b: {  	[sflag:s24] =	ssyncadd.s32 @!p3 $0xFFFFF640  }
.LBB2_1:
.Ltmp2:
0x4c: {  	(pc) =	sbr.rel @p1 .LBB2_5-.Ltmp2, $1  }
0x4d: {  	_ =	sdelay $0x3  }
.Ltmp3:
0x4e: {  	(pc) =	sbr.rel @p2 .LBB2_8-.Ltmp3, $1  }
0x4f: {  	_ =	sdelay $0x3  }
0x50: {  	s23 =	sld [smem:$0x7FD];
	_ =	sdelay $0x2  }
0x51: {  	p4 =	seq.s32 s23, $0x1  }
.Ltmp4:
0x52: {  	_ = 	snop;
	(pc) =	sbr.rel @!p4 .LBB2_12-.Ltmp4, $1  }
0x53: {  	_ =	sdelay $0x3  }
.Ltmp5:
0x54: {  	(pc) =	sbr.rel .LBB2_11-.Ltmp5, $3  }
0x55: {  	_ =	sdelay $0x1  }
0x56: {  	s23 =	sshrl.u32 s2, $0x3;
	s24 =	rddreg [dreg:$0x6];
	s25 =	simm.s32 $0x1C43  }
0x57: {  	[spmem:s23], [sflag:s25] =	dma.local [hbm:s24], $0x9C40  }
.LBB2_5:
.Ltmp6:
0x58: {  	(pc) =	sbr.rel @p5 .LBB2_10-.Ltmp6, $1  }
0x59: {  	_ =	sdelay $0x3  }
.Ltmp7:
0x5a: {  	(pc) =	sbr.rel @!p6 .LBB2_12-.Ltmp7, $1  }
0x5b: {  	_ =	sdelay $0x3  }
.Ltmp8:
0x5c: {  	(pc) =	sbr.rel .LBB2_11-.Ltmp8, $3  }
0x5d: {  	_ =	sdelay $0x1  }
0x5e: {  	s23 =	sshrl.u32 s4, $0x3;
	s24 =	rddreg [dreg:$0x6];
	s25 =	simm.s32 $0x1CC3  }
0x5f: {  	[spmem:s23], [sflag:s25] =	dma.local [hbm:s24], $0x9C40  }
.LBB2_8:
.Ltmp9:
0x60: {  	(pc) =	sbr.rel @p0 .LBB2_17-.Ltmp9, $2  }
0x61: {  	_ =	sdelay $0x2  }
0x62: {  	s23 =	sshrl.u32 s1, $0x3;
	s24 =	simm.s32 $0x1C03  }
0x63: {  	[spmem:s23], [sflag:s24] =	dma.local [hbm:s9], $0x9C40  }
.Ltmp10:
0x64: {  	_ =	swait.ge [sflag:s0], $0x9C40;
	(pc) =	sbr.rel .LBB2_13-.Ltmp10, $3  }
0x65: {  	[sflag:s0] =	ssyncset.done $0x0  }
0x66: {  	[sflag:s0] =	ssyncadd.s32 $0xFFFF63C0  }
0x67: {  	[bflag:$0x0] =	sbarrier.arrive $0xFFFF;
	_ =	sdelay $0x1  }
.LBB2_10:
0x68: {  	s23 =	sshrl.u32 s3, $0x3;
	s24 =	rddreg [dreg:$0x6];
	s25 =	simm.s32 $0x1C83  }
0x69: {  	[spmem:s23], [sflag:s25] =	dma.local [hbm:s24], $0x9C40  }
.LBB2_11:
0x6a: {  	_ =	swait.ge [sflag:s0], $0x9C40  }
0x6b: {  	[sflag:s0] =	ssyncset.done $0x0  }
0x6c: {  	[sflag:s0] =	ssyncadd.s32 $0xFFFF63C0  }
.LBB2_12:
.Ltmp11:
0x6d: {  	(pc) =	sbr.rel @p0 .LBB2_18-.Ltmp11, $2  }
0x6e: {  	_ =	sdelay $0x1  }
0x6f: {  	[bflag:$0x0] =	sbarrier.arrive $0xFFFF;
	_ =	sdelay $0x1  }
.LBB2_13:
0x70: {  	s23 =	simm.s32 $0x0;
	s24 =	simm.s32 $0x0  }
.LBB2_14:
0x71: {  	s25 =	smul.u32 $0x2800, s24;
	_ =	sdelay $0x1  }
0x72: {  	s25 =	sadd.s32 s26, s25  }
0x73: {  	s25 =	sshrl.u32 s25, $0x3  }
0x74: {  	s28 =	sadd.s32 s7, s25  }
0x75: {  	[tilespmem:s23], [sflag:$0x3] =	stream.linear.gather [hbm4b:s28+s23], $0x2800, $0x38;
	[tilespmem:$0x1A7C0] =	vst v63  }
0x76: {  	_ =	swait.ge [sflag:s0], $0x2800  }
0x77: {  	[sflag:s0] =	ssyncset.done $0x0  }
0x78: {  	s25 =	sadd.s32 s8, s25;
	[sflag:s0] =	ssyncadd.s32 $0xFFFFD800  }
0x79: {  	[tilespmem:s31], [sflag:$0x3] =	stream.linear.gather [hbm4b:s25+s23], $0x2800, $0x38;
	[tilespmem:$0x1A7C0] =	vst v63  }
0x7a: {  	_ =	swait.ge [sflag:s0], $0x2800  }
0x7b: {  	[sflag:s0] =	ssyncset.done $0x0  }
0x7c: {  	[sflag:s0] =	ssyncadd.s32 $0xFFFFD800  }
0x7d: {  	[tilespmem:s6], [sflag:$0x1] =	stream.indirect.gather [hbm4b:s9+s11], $0x20, s23, s11, $0xb8;
	[tilespmem:$0x1A7C0] =	vst v63  }
0x7e: {  	_ = 	snop  }
0x7f: {  	[tilespmem:s14], [sflag:$0x2] =	stream.indirect.gather [hbm4b:s9+s11], $0x20, s13, s11, $0xb8;
	[tilespmem:$0x1A7C0] =	vst v63  }
0x80: {  	_ =	swait.ge [sflag:s15], $0xFA0  }
0x81: {  	[sflag:s15] =	ssyncset.done $0x0  }
0x82: {  	s29 =	simm.s32 $0x2800;
	[sflag:s15] =	ssyncadd.s32 $0xFFFFF060  }
0x83: {  	[spmem:s1] =	stream.indirect.scatter.add.bf16 [tilespmem:s6], [sflag:$0x3], $0x20, s29, s11, $0xb8;
	[tilespmem:$0x1A7C0] =	vst v63  }
0x84: {  	_ =	swait.ge [sflag:s0], $0xFA0  }
0x85: {  	[sflag:s0] =	ssyncset.done $0x0  }
0x86: {  	s29 =	simm.s32 $0x100;
	[sflag:s0] =	ssyncadd.s32 $0xFFFFF060  }
0x87: {  	[tilespmem:s6], [sflag:$0x1] =	stream.indirect.gather [hbm4b:s9+s11], $0x20, s29, s11, $0xb8;
	[tilespmem:$0x1A7C0] =	vst v63  }
0x88: {  	_ =	swait.ge [sflag:s16], $0xFA0  }
0x89: {  	[sflag:s16] =	ssyncset.done $0x0  }
0x8a: {  	s29 =	simm.s32 $0x2880;
	[sflag:s16] =	ssyncadd.s32 $0xFFFFF060  }
0x8b: {  	[spmem:s2] =	stream.indirect.scatter.add.bf16 [tilespmem:s14], [sflag:$0x3], $0x20, s29, s11, $0xb8;
	[tilespmem:$0x1A7C0] =	vst v63  }
0x8c: {  	_ =	swait.ge [sflag:s0], $0xFA0  }
0x8d: {  	[sflag:s0] =	ssyncset.done $0x0  }
0x8e: {  	s29 =	simm.s32 $0x180;
	[sflag:s0] =	ssyncadd.s32 $0xFFFFF060  }
0x8f: {  	[tilespmem:s14], [sflag:$0x2] =	stream.indirect.gather [hbm4b:s9+s11], $0x20, s29, s11, $0xb8;
	[tilespmem:$0x1A7C0] =	vst v63  }
0x90: {  	_ =	swait.ge [sflag:s15], $0xFA0  }
0x91: {  	[sflag:s15] =	ssyncset.done $0x0  }
0x92: {  	s29 =	simm.s32 $0x2900;
	[sflag:s15] =	ssyncadd.s32 $0xFFFFF060  }
0x93: {  	[spmem:s3] =	stream.indirect.scatter.add.bf16 [tilespmem:s6], [sflag:$0x3], $0x20, s29, s11, $0xb8;
	[tilespmem:$0x1A7C0] =	vst v63  }
0x94: {  	_ =	swait.ge [sflag:s0], $0xFA0  }
0x95: {  	[sflag:s0] =	ssyncset.done $0x0  }
0x96: {  	s29 =	simm.s32 $0x200;
	[sflag:s0] =	ssyncadd.s32 $0xFFFFF060  }
0x97: {  	[tilespmem:s6], [sflag:$0x1] =	stream.indirect.gather [hbm4b:s9+s11], $0x20, s29, s11, $0xb8;
	[tilespmem:$0x1A7C0] =	vst v63  }
0x98: {  	_ =	swait.ge [sflag:s16], $0xFA0  }
0x99: {  	[sflag:s16] =	ssyncset.done $0x0  }
0x9a: {  	s29 =	simm.s32 $0x2980;
	[sflag:s16] =	ssyncadd.s32 $0xFFFFF060  }
0x9b: {  	[spmem:s4] =	stream.indirect.scatter.add.bf16 [tilespmem:s14], [sflag:$0x3], $0x20, s29, s11, $0xb8;
	[tilespmem:$0x1A7C0] =	vst v63  }
0x9c: {  	_ =	swait.ge [sflag:s0], $0xFA0  }
0x9d: {  	[sflag:s0] =	ssyncset.done $0x0  }
0x9e: {  	s28 =	simm.s32 $0x280;
	s25 =	simm.s32 $0x800;
	[sflag:s0] =	ssyncadd.s32 $0xFFFFF060  }
.LBB2_15:
0x9f: {  	[tilespmem:s14], [sflag:$0x2] =	stream.indirect.gather [hbm4b:s9+s11], $0x20, s28, s11, $0xb8;
	[tilespmem:$0x1A7C0] =	vst v63  }
0xa0: {  	s28 =	smov.u32 s25  }
0xa1: {  	p4 =	sne.s32 s25, $0x9000;
	s25 =	sadd.s32 $0x800, s25;
	_ =	swait.ge [sflag:s15], $0xFA0  }
0xa2: {  	s28 =	sshra.s32 s28, $0x2;
	[sflag:s15] =	ssyncset.done $0x0  }
0xa3: {  	s29 =	sadd.s32 $0x2800, s28;
	[sflag:s15] =	ssyncadd.s32 $0xFFFFF060  }
0xa4: {  	[spmem:s1] =	stream.indirect.scatter.add.bf16 [tilespmem:s6], [sflag:$0x3], $0x20, s29, s11, $0xb8;
	[tilespmem:$0x1A7C0] =	vst v63  }
0xa5: {  	_ =	swait.ge [sflag:s0], $0xFA0  }
0xa6: {  	[sflag:s0] =	ssyncset.done $0x0  }
0xa7: {  	s29 =	sadd.s32 $0x100, s28;
	[sflag:s0] =	ssyncadd.s32 $0xFFFFF060  }
0xa8: {  	[tilespmem:s6], [sflag:$0x1] =	stream.indirect.gather [hbm4b:s9+s11], $0x20, s29, s11, $0xb8;
	[tilespmem:$0x1A7C0] =	vst v63  }
0xa9: {  	_ =	swait.ge [sflag:s16], $0xFA0  }
0xaa: {  	[sflag:s16] =	ssyncset.done $0x0  }
0xab: {  	s29 =	sadd.s32 $0x2880, s28;
	[sflag:s16] =	ssyncadd.s32 $0xFFFFF060  }
0xac: {  	[spmem:s2] =	stream.indirect.scatter.add.bf16 [tilespmem:s14], [sflag:$0x3], $0x20, s29, s11, $0xb8;
	[tilespmem:$0x1A7C0] =	vst v63  }
0xad: {  	_ =	swait.ge [sflag:s0], $0xFA0  }
0xae: {  	[sflag:s0] =	ssyncset.done $0x0  }
0xaf: {  	s29 =	sadd.s32 $0x180, s28;
	[sflag:s0] =	ssyncadd.s32 $0xFFFFF060  }
0xb0: {  	[tilespmem:s14], [sflag:$0x2] =	stream.indirect.gather [hbm4b:s9+s11], $0x20, s29, s11, $0xb8;
	[tilespmem:$0x1A7C0] =	vst v63  }
0xb1: {  	_ =	swait.ge [sflag:s15], $0xFA0  }
0xb2: {  	[sflag:s15] =	ssyncset.done $0x0  }
0xb3: {  	s29 =	sadd.s32 $0x2900, s28;
	[sflag:s15] =	ssyncadd.s32 $0xFFFFF060  }
0xb4: {  	[spmem:s3] =	stream.indirect.scatter.add.bf16 [tilespmem:s6], [sflag:$0x3], $0x20, s29, s11, $0xb8;
	[tilespmem:$0x1A7C0] =	vst v63  }
0xb5: {  	_ =	swait.ge [sflag:s0], $0xFA0  }
0xb6: {  	[sflag:s0] =	ssyncset.done $0x0  }
0xb7: {  	s29 =	sadd.s32 $0x200, s28;
	[sflag:s0] =	ssyncadd.s32 $0xFFFFF060  }
0xb8: {  	[tilespmem:s6], [sflag:$0x1] =	stream.indirect.gather [hbm4b:s9+s11], $0x20, s29, s11, $0xb8;
	[tilespmem:$0x1A7C0] =	vst v63  }
0xb9: {  	_ =	swait.ge [sflag:s16], $0xFA0  }
0xba: {  	[sflag:s16] =	ssyncset.done $0x0  }
.Ltmp12:
0xbb: {  	s29 =	sadd.s32 $0x2980, s28;
	[sflag:s16] =	ssyncadd.s32 $0xFFFFF060;
	(pc) =	sbr.rel @p4 .LBB2_15-.Ltmp12, $4  }
0xbc: {  	[spmem:s4] =	stream.indirect.scatter.add.bf16 [tilespmem:s14], [sflag:$0x3], $0x20, s29, s11, $0xb8;
	[tilespmem:$0x1A7C0] =	vst v63  }
0xbd: {  	_ =	swait.ge [sflag:s0], $0xFA0  }
0xbe: {  	[sflag:s0] =	ssyncset.done $0x0  }
0xbf: {  	s28 =	sadd.s32 $0x280, s28;
	[sflag:s0] =	ssyncadd.s32 $0xFFFFF060  }
0xc0: {  	[tilespmem:s14], [sflag:$0x2] =	stream.indirect.gather [hbm4b:s9+s11], $0x20, s28, s11, $0xb8;
	[tilespmem:$0x1A7C0] =	vst v63  }
0xc1: {  	_ =	swait.ge [sflag:s15], $0xFA0  }
0xc2: {  	[sflag:s15] =	ssyncset.done $0x0  }
0xc3: {  	[sflag:s15] =	ssyncadd.s32 $0xFFFFF060  }
0xc4: {  	[spmem:s1] =	stream.indirect.scatter.add.bf16 [tilespmem:s6], [sflag:$0x3], $0x20, s17, s11, $0xb8;
	[tilespmem:$0x1A7C0] =	vst v63  }
0xc5: {  	_ =	swait.ge [sflag:s0], $0xFA0  }
0xc6: {  	[sflag:s0] =	ssyncset.done $0x0  }
0xc7: {  	[sflag:s0] =	ssyncadd.s32 $0xFFFFF060  }
0xc8: {  	[tilespmem:s6], [sflag:$0x1] =	stream.indirect.gather [hbm4b:s9+s11], $0x20, s18, s11, $0xb8;
	[tilespmem:$0x1A7C0] =	vst v63  }
0xc9: {  	_ =	swait.ge [sflag:s16], $0xFA0  }
0xca: {  	[sflag:s16] =	ssyncset.done $0x0  }
0xcb: {  	[sflag:s16] =	ssyncadd.s32 $0xFFFFF060  }
0xcc: {  	[spmem:s2] =	stream.indirect.scatter.add.bf16 [tilespmem:s14], [sflag:$0x3], $0x20, s19, s11, $0xb8;
	[tilespmem:$0x1A7C0] =	vst v63  }
0xcd: {  	_ =	swait.ge [sflag:s0], $0xFA0  }
0xce: {  	[sflag:s0] =	ssyncset.done $0x0  }
0xcf: {  	[sflag:s0] =	ssyncadd.s32 $0xFFFFF060  }
0xd0: {  	[tilespmem:s14], [sflag:$0x2] =	stream.indirect.gather [hbm4b:s9+s11], $0x20, s20, s11, $0xb8;
	[tilespmem:$0x1A7C0] =	vst v63  }
0xd1: {  	_ =	swait.ge [sflag:s15], $0xFA0  }
0xd2: {  	[sflag:s15] =	ssyncset.done $0x0  }
0xd3: {  	[sflag:s15] =	ssyncadd.s32 $0xFFFFF060  }
0xd4: {  	[spmem:s3] =	stream.indirect.scatter.add.bf16 [tilespmem:s6], [sflag:$0x3], $0x20, s21, s11, $0xb8;
	[tilespmem:$0x1A7C0] =	vst v63  }
0xd5: {  	_ =	swait.ge [sflag:s0], $0xFA0  }
0xd6: {  	[sflag:s0] =	ssyncset.done $0x0  }
0xd7: {  	[sflag:s0] =	ssyncadd.s32 $0xFFFFF060  }
0xd8: {  	_ =	swait.ge [sflag:s16], $0xFA0  }
0xd9: {  	s24 =	sadd.s32 $0x1, s24;
	[sflag:s16] =	ssyncset.done $0x0  }
0xda: {  	p4 =	seq.s32 s24, $0x4;
	[sflag:s16] =	ssyncadd.s32 $0xFFFFF060  }
0xdb: {  	[spmem:s4] =	stream.indirect.scatter.add.bf16 [tilespmem:s14], [sflag:$0x3], $0x20, s22, s11, $0xb8;
	[tilespmem:$0x1A7C0] =	vst v63  }
.Ltmp13:
0xdc: {  	_ = 	snop;
	(pc) =	sbr.rel @!p4 .LBB2_14-.Ltmp13, $4  }
.Ltmp14:
0xdd: {  	_ = 	snop;
	(pc) =	sbr.rel @p4 .LBB2_22-.Ltmp14, $4  }
0xde: {  	_ =	swait.ge [sflag:s0], $0xFA0  }
0xdf: {  	[sflag:s0] =	ssyncset.done $0x0  }
0xe0: {  	[sflag:s0] =	ssyncadd.s32 $0xFFFFF060  }
0xe1: {  	_ = 	snop  }
.LBB2_17:
0xe2: {  	[spmem:s23], [sflag:s24] =	dma.local [hbm:s10], $0x9C40  }
0xe3: {  	_ =	swait.ge [sflag:s0], $0x9C40  }
0xe4: {  	[sflag:s0] =	ssyncset.done $0x0  }
0xe5: {  	[sflag:s0] =	ssyncadd.s32 $0xFFFF63C0  }
0xe6: {  	[bflag:$0x0] =	sbarrier.arrive $0xFFFF  }
.LBB2_18:
0xe7: {  	s23 =	simm.s32 $0x0;
	s24 =	simm.s32 $0x0  }
.LBB2_19:
0xe8: {  	s25 =	smul.u32 $0x2800, s24;
	_ =	sdelay $0x1  }
0xe9: {  	s25 =	sadd.s32 s26, s25  }
0xea: {  	s25 =	sshrl.u32 s25, $0x3  }
0xeb: {  	s28 =	sadd.s32 s7, s25  }
0xec: {  	[tilespmem:s23], [sflag:$0x3] =	stream.linear.gather [hbm4b:s28+s23], $0x2800, $0x38;
	[tilespmem:$0x1A7C0] =	vst v63  }
0xed: {  	_ =	swait.ge [sflag:s0], $0x2800  }
0xee: {  	[sflag:s0] =	ssyncset.done $0x0  }
0xef: {  	s25 =	sadd.s32 s8, s25;
	[sflag:s0] =	ssyncadd.s32 $0xFFFFD800  }
0xf0: {  	[tilespmem:s31], [sflag:$0x3] =	stream.linear.gather [hbm4b:s25+s23], $0x2800, $0x38;
	[tilespmem:$0x1A7C0] =	vst v63  }
0xf1: {  	_ =	swait.ge [sflag:s0], $0x2800  }
0xf2: {  	[sflag:s0] =	ssyncset.done $0x0  }
0xf3: {  	[sflag:s0] =	ssyncadd.s32 $0xFFFFD800  }
0xf4: {  	[tilespmem:s6], [sflag:$0x1] =	stream.indirect.gather [hbm4b:s10+s11], $0x20, s23, s11, $0xb8;
	[tilespmem:$0x1A7C0] =	vst v63  }
0xf5: {  	_ = 	snop  }
0xf6: {  	[tilespmem:s14], [sflag:$0x2] =	stream.indirect.gather [hbm4b:s10+s11], $0x20, s13, s11, $0xb8;
	[tilespmem:$0x1A7C0] =	vst v63  }
0xf7: {  	_ =	swait.ge [sflag:s15], $0xFA0  }
0xf8: {  	[sflag:s15] =	ssyncset.done $0x0  }
0xf9: {  	s29 =	simm.s32 $0x2800;
	[sflag:s15] =	ssyncadd.s32 $0xFFFFF060  }
0xfa: {  	[spmem:s1] =	stream.indirect.scatter.add.bf16 [tilespmem:s6], [sflag:$0x3], $0x20, s29, s11, $0xb8;
	[tilespmem:$0x1A7C0] =	vst v63  }
0xfb: {  	_ =	swait.ge [sflag:s0], $0xFA0  }
0xfc: {  	[sflag:s0] =	ssyncset.done $0x0  }
0xfd: {  	s29 =	simm.s32 $0x100;
	[sflag:s0] =	ssyncadd.s32 $0xFFFFF060  }
0xfe: {  	[tilespmem:s6], [sflag:$0x1] =	stream.indirect.gather [hbm4b:s10+s11], $0x20, s29, s11, $0xb8;
	[tilespmem:$0x1A7C0] =	vst v63  }
0xff: {  	_ =	swait.ge [sflag:s16], $0xFA0  }
0x100: {  	[sflag:s16] =	ssyncset.done $0x0  }
0x101: {  	s29 =	simm.s32 $0x2880;
	[sflag:s16] =	ssyncadd.s32 $0xFFFFF060  }
0x102: {  	[spmem:s2] =	stream.indirect.scatter.add.bf16 [tilespmem:s14], [sflag:$0x3], $0x20, s29, s11, $0xb8;
	[tilespmem:$0x1A7C0] =	vst v63  }
0x103: {  	_ =	swait.ge [sflag:s0], $0xFA0  }
0x104: {  	[sflag:s0] =	ssyncset.done $0x0  }
0x105: {  	s29 =	simm.s32 $0x180;
	[sflag:s0] =	ssyncadd.s32 $0xFFFFF060  }
0x106: {  	[tilespmem:s14], [sflag:$0x2] =	stream.indirect.gather [hbm4b:s10+s11], $0x20, s29, s11, $0xb8;
	[tilespmem:$0x1A7C0] =	vst v63  }
0x107: {  	_ =	swait.ge [sflag:s15], $0xFA0  }
0x108: {  	[sflag:s15] =	ssyncset.done $0x0  }
0x109: {  	s29 =	simm.s32 $0x2900;
	[sflag:s15] =	ssyncadd.s32 $0xFFFFF060  }
0x10a: {  	[spmem:s3] =	stream.indirect.scatter.add.bf16 [tilespmem:s6], [sflag:$0x3], $0x20, s29, s11, $0xb8;
	[tilespmem:$0x1A7C0] =	vst v63  }
0x10b: {  	_ =	swait.ge [sflag:s0], $0xFA0  }
0x10c: {  	[sflag:s0] =	ssyncset.done $0x0  }
0x10d: {  	s29 =	simm.s32 $0x200;
	[sflag:s0] =	ssyncadd.s32 $0xFFFFF060  }
0x10e: {  	[tilespmem:s6], [sflag:$0x1] =	stream.indirect.gather [hbm4b:s10+s11], $0x20, s29, s11, $0xb8;
	[tilespmem:$0x1A7C0] =	vst v63  }
0x10f: {  	_ =	swait.ge [sflag:s16], $0xFA0  }
0x110: {  	[sflag:s16] =	ssyncset.done $0x0  }
0x111: {  	s29 =	simm.s32 $0x2980;
	[sflag:s16] =	ssyncadd.s32 $0xFFFFF060  }
0x112: {  	[spmem:s4] =	stream.indirect.scatter.add.bf16 [tilespmem:s14], [sflag:$0x3], $0x20, s29, s11, $0xb8;
	[tilespmem:$0x1A7C0] =	vst v63  }
0x113: {  	_ =	swait.ge [sflag:s0], $0xFA0  }
0x114: {  	[sflag:s0] =	ssyncset.done $0x0  }
0x115: {  	s28 =	simm.s32 $0x280;
	s25 =	simm.s32 $0x800;
	[sflag:s0] =	ssyncadd.s32 $0xFFFFF060  }
.LBB2_20:
0x116: {  	[tilespmem:s14], [sflag:$0x2] =	stream.indirect.gather [hbm4b:s10+s11], $0x20, s28, s11, $0xb8;
	[tilespmem:$0x1A7C0] =	vst v63  }
0x117: {  	s28 =	smov.u32 s25  }
0x118: {  	p4 =	sne.s32 s25, $0x9000;
	s25 =	sadd.s32 $0x800, s25;
	_ =	swait.ge [sflag:s15], $0xFA0  }
0x119: {  	s28 =	sshra.s32 s28, $0x2;
	[sflag:s15] =	ssyncset.done $0x0  }
0x11a: {  	s29 =	sadd.s32 $0x2800, s28;
	[sflag:s15] =	ssyncadd.s32 $0xFFFFF060  }
0x11b: {  	[spmem:s1] =	stream.indirect.scatter.add.bf16 [tilespmem:s6], [sflag:$0x3], $0x20, s29, s11, $0xb8;
	[tilespmem:$0x1A7C0] =	vst v63  }
0x11c: {  	_ =	swait.ge [sflag:s0], $0xFA0  }
0x11d: {  	[sflag:s0] =	ssyncset.done $0x0  }
0x11e: {  	s29 =	sadd.s32 $0x100, s28;
	[sflag:s0] =	ssyncadd.s32 $0xFFFFF060  }
0x11f: {  	[tilespmem:s6], [sflag:$0x1] =	stream.indirect.gather [hbm4b:s10+s11], $0x20, s29, s11, $0xb8;
	[tilespmem:$0x1A7C0] =	vst v63  }
0x120: {  	_ =	swait.ge [sflag:s16], $0xFA0  }
0x121: {  	[sflag:s16] =	ssyncset.done $0x0  }
0x122: {  	s29 =	sadd.s32 $0x2880, s28;
	[sflag:s16] =	ssyncadd.s32 $0xFFFFF060  }
0x123: {  	[spmem:s2] =	stream.indirect.scatter.add.bf16 [tilespmem:s14], [sflag:$0x3], $0x20, s29, s11, $0xb8;
	[tilespmem:$0x1A7C0] =	vst v63  }
0x124: {  	_ =	swait.ge [sflag:s0], $0xFA0  }
0x125: {  	[sflag:s0] =	ssyncset.done $0x0  }
0x126: {  	s29 =	sadd.s32 $0x180, s28;
	[sflag:s0] =	ssyncadd.s32 $0xFFFFF060  }
0x127: {  	[tilespmem:s14], [sflag:$0x2] =	stream.indirect.gather [hbm4b:s10+s11], $0x20, s29, s11, $0xb8;
	[tilespmem:$0x1A7C0] =	vst v63  }
0x128: {  	_ =	swait.ge [sflag:s15], $0xFA0  }
0x129: {  	[sflag:s15] =	ssyncset.done $0x0  }
0x12a: {  	s29 =	sadd.s32 $0x2900, s28;
	[sflag:s15] =	ssyncadd.s32 $0xFFFFF060  }
0x12b: {  	[spmem:s3] =	stream.indirect.scatter.add.bf16 [tilespmem:s6], [sflag:$0x3], $0x20, s29, s11, $0xb8;
	[tilespmem:$0x1A7C0] =	vst v63  }
0x12c: {  	_ =	swait.ge [sflag:s0], $0xFA0  }
0x12d: {  	[sflag:s0] =	ssyncset.done $0x0  }
0x12e: {  	s29 =	sadd.s32 $0x200, s28;
	[sflag:s0] =	ssyncadd.s32 $0xFFFFF060  }
0x12f: {  	[tilespmem:s6], [sflag:$0x1] =	stream.indirect.gather [hbm4b:s10+s11], $0x20, s29, s11, $0xb8;
	[tilespmem:$0x1A7C0] =	vst v63  }
0x130: {  	_ =	swait.ge [sflag:s16], $0xFA0  }
0x131: {  	[sflag:s16] =	ssyncset.done $0x0  }
.Ltmp15:
0x132: {  	s29 =	sadd.s32 $0x2980, s28;
	[sflag:s16] =	ssyncadd.s32 $0xFFFFF060;
	(pc) =	sbr.rel @p4 .LBB2_20-.Ltmp15, $4  }
0x133: {  	[spmem:s4] =	stream.indirect.scatter.add.bf16 [tilespmem:s14], [sflag:$0x3], $0x20, s29, s11, $0xb8;
	[tilespmem:$0x1A7C0] =	vst v63  }
0x134: {  	_ =	swait.ge [sflag:s0], $0xFA0  }
0x135: {  	[sflag:s0] =	ssyncset.done $0x0  }
0x136: {  	s28 =	sadd.s32 $0x280, s28;
	[sflag:s0] =	ssyncadd.s32 $0xFFFFF060  }
0x137: {  	[tilespmem:s14], [sflag:$0x2] =	stream.indirect.gather [hbm4b:s10+s11], $0x20, s28, s11, $0xb8;
	[tilespmem:$0x1A7C0] =	vst v63  }
0x138: {  	_ =	swait.ge [sflag:s15], $0xFA0  }
0x139: {  	[sflag:s15] =	ssyncset.done $0x0  }
0x13a: {  	[sflag:s15] =	ssyncadd.s32 $0xFFFFF060  }
0x13b: {  	[spmem:s1] =	stream.indirect.scatter.add.bf16 [tilespmem:s6], [sflag:$0x3], $0x20, s17, s11, $0xb8;
	[tilespmem:$0x1A7C0] =	vst v63  }
0x13c: {  	_ =	swait.ge [sflag:s0], $0xFA0  }
0x13d: {  	[sflag:s0] =	ssyncset.done $0x0  }
0x13e: {  	[sflag:s0] =	ssyncadd.s32 $0xFFFFF060  }
0x13f: {  	[tilespmem:s6], [sflag:$0x1] =	stream.indirect.gather [hbm4b:s10+s11], $0x20, s18, s11, $0xb8;
	[tilespmem:$0x1A7C0] =	vst v63  }
0x140: {  	_ =	swait.ge [sflag:s16], $0xFA0  }
0x141: {  	[sflag:s16] =	ssyncset.done $0x0  }
0x142: {  	[sflag:s16] =	ssyncadd.s32 $0xFFFFF060  }
0x143: {  	[spmem:s2] =	stream.indirect.scatter.add.bf16 [tilespmem:s14], [sflag:$0x3], $0x20, s19, s11, $0xb8;
	[tilespmem:$0x1A7C0] =	vst v63  }
0x144: {  	_ =	swait.ge [sflag:s0], $0xFA0  }
0x145: {  	[sflag:s0] =	ssyncset.done $0x0  }
0x146: {  	[sflag:s0] =	ssyncadd.s32 $0xFFFFF060  }
0x147: {  	[tilespmem:s14], [sflag:$0x2] =	stream.indirect.gather [hbm4b:s10+s11], $0x20, s20, s11, $0xb8;
	[tilespmem:$0x1A7C0] =	vst v63  }
0x148: {  	_ =	swait.ge [sflag:s15], $0xFA0  }
0x149: {  	[sflag:s15] =	ssyncset.done $0x0  }
0x14a: {  	[sflag:s15] =	ssyncadd.s32 $0xFFFFF060  }
0x14b: {  	[spmem:s3] =	stream.indirect.scatter.add.bf16 [tilespmem:s6], [sflag:$0x3], $0x20, s21, s11, $0xb8;
	[tilespmem:$0x1A7C0] =	vst v63  }
0x14c: {  	_ =	swait.ge [sflag:s0], $0xFA0  }
0x14d: {  	[sflag:s0] =	ssyncset.done $0x0  }
0x14e: {  	[sflag:s0] =	ssyncadd.s32 $0xFFFFF060  }
0x14f: {  	_ =	swait.ge [sflag:s16], $0xFA0  }
0x150: {  	s24 =	sadd.s32 $0x1, s24;
	[sflag:s16] =	ssyncset.done $0x0  }
0x151: {  	p4 =	sne.s32 s24, $0x4;
	[sflag:s16] =	ssyncadd.s32 $0xFFFFF060  }
0x152: {  	[spmem:s4] =	stream.indirect.scatter.add.bf16 [tilespmem:s14], [sflag:$0x3], $0x20, s22, s11, $0xb8;
	[tilespmem:$0x1A7C0] =	vst v63  }
.Ltmp16:
0x153: {  	_ = 	snop;
	(pc) =	sbr.rel @p4 .LBB2_19-.Ltmp16, $4  }
.Ltmp17:
0x154: {  	_ = 	snop;
	(pc) =	sbr.rel @!p4 .LBB2_22-.Ltmp17, $4  }
0x155: {  	_ =	swait.ge [sflag:s0], $0xFA0  }
0x156: {  	[sflag:s0] =	ssyncset.done $0x0  }
0x157: {  	[sflag:s0] =	ssyncadd.s32 $0xFFFFF060  }
0x158: {  	_ = 	snop  }
.LBB2_23:
0x159: {  	_ =	sfence.sel $0x180000  }
0x15a: {  	[bflag:$0x0] =	sbarrier.arrive $0xFFFF  }
0x15b: {  	_ =	strace $0x9000004A  }
0x15c: {  	s0 =	stileid.u32;
	[bflag:$0x2] =	sbarrier.arrive $0xFFFF  }
0x15d: {  	p0 =	sne.s32 s0, $0x0;
	s0 =	rddreg [dreg:$0x5]  }
0x15e: {  	s0 =	sadd.s32 @!p0 $0x100000, s0  }
0x15f: {  	[sflag:s0] =	ssyncadd.tile.s32 @!p0 $0x1;
	_ =	shalt  }
.Lfunc_end2:
_tile_overlayer_lowered:
.L_overlay_start_2:
0x160: {  	(tag) =	ssettag $0x2  }
0x161: {  	s0 =	rddreg [dreg:$0x0];
	s2 =	stileid.u32  }
0x162: {  	s1 =	rddreg [dreg:$0x1];
	p0 =	sne.s32 s2, $0x0  }
0x163: {  	s3 =	rddreg [dreg:$0x2];
	[bflag:$0x3] =	sbarrier.arrive $0xFFFF;
	s2 =	simm.s32 @!p0 $0x1C03  }
0x164: {  	[timem:s3], [sflag:s2] =	dma.local @!p0 [hbm:s0], s1  }
0x165: {  	s0 =	simm.s32 @!p0 $0x3  }
0x166: {  	_ =	swait.ge @!p0 [sflag:s0], s1  }
0x167: {  	s1 =	ssub.s32 @!p0 $0x0, s1;
	[sflag:s0] =	ssyncset.done @!p0 $0x0  }
0x168: {  	[sflag:s0] =	ssyncadd.s32 @!p0 s1  }
0x169: {  	[bflag:$0x3] =	sbarrier.arrive $0xFFFF  }
0x16a: {  	_ =	shalt  }

</sc_bundles>
